<compile_context>
chip_gen: v7x
topology: tpu7x:2x2x1
jax: 0.10.2.dev20260603
libtpu: 0.0.44.dev20260713+nightly
codegen_flags: <defaults>
</compile_context>

<pallas_src>
import functools

import jax
import jax.numpy as jnp
from jax import lax
from jax.experimental import pallas as pl
from jax.experimental.pallas import tpu as pltpu
from jax.experimental.pallas import tpu_sc as plsc

SEQ = 200
BATCH = 1024
VOCAB = 100000
SPLIT = 49920
WBUF = 50080
ROWS = 104


def _make_kernel():
    nc, ns, nl = 2, 16, 16
    pb = 128
    groups = pb // nl

    mesh = plsc.VectorSubcoreMesh(core_axis_name="c", subcore_axis_name="s")

    @functools.partial(
        pl.kernel,
        mesh=mesh,
        out_type=jax.ShapeDtypeStruct((BATCH,), jnp.float32),
        compiler_params=pltpu.CompilerParams(
            needs_layout_passes=False, skip_device_barrier=True
        ),
        scratch_types=[
            pltpu.VMEM((WBUF,), jnp.float32),
            pltpu.VMEM((ROWS, pb), jnp.int32),
            pltpu.VMEM((pb,), jnp.float32),
            pltpu.VMEM((3 * pb,), jnp.float32),
            pltpu.VMEM((nl,), jnp.float32),
            pltpu.VMEM_SHARED((4 * 4 * pb,), jnp.float32),
            pltpu.SemaphoreType.DMA,
            pltpu.SemaphoreType.DMA,
            pltpu.SemaphoreType.DMA,
        ],
    )
    def k(text_hbm, w_hbm, b_hbm, out_hbm, w_v, tok_v, part_v, peer_v,
          bias_v, shared, sem_w, sem_t, sem_b):
        cid = lax.axis_index("c")
        sid = lax.axis_index("s")
        cb_local = sid // 4
        q = sid % 4
        rh = q // 2
        m = q % 2
        cb = cid * 4 + cb_local
        base = m * SPLIT

        chunk = 6272
        cps = []
        for j in range(7):
            c = lax.rem(sid + j, 7)
            cps.append(pltpu.async_copy(
                w_hbm.at[0, pl.ds(base + c * chunk, chunk)],
                w_v.at[pl.ds(c * chunk, chunk)], sem_w))
        cps.append(pltpu.async_copy(
            w_hbm.at[0, pl.ds(base + 7 * chunk, 6144)],
            w_v.at[pl.ds(7 * chunk, 6144)], sem_w))
        cps.append(pltpu.async_copy(
            w_hbm.at[0, pl.ds(base + 50048, 32)],
            w_v.at[pl.ds(50048, 32)], sem_w))
        cp_t = pltpu.async_copy(
            text_hbm.at[pl.ds(rh * 96, ROWS), pl.ds(cb * pb, pb)], tok_v,
            sem_t)
        cp_b = pltpu.async_copy(b_hbm, bias_v.at[pl.ds(0, 1)], sem_b)
        cp_t.wait()
        for cp in cps:
            cp.wait()

        span = 49920 + m * 160
        lo_v = jnp.full((nl,), base, jnp.int32)
        span_u = jnp.full((nl,), span, jnp.uint32)
        max_u = jnp.full((nl,), WBUF - 1, jnp.uint32)
        zero_f = jnp.zeros((nl,), jnp.float32)

        def make_body(extra_mask):
            def body(t, accs):
                new = []
                for g in range(groups):
                    idx = tok_v[t, pl.ds(g * nl, nl)]
                    loc_u = plsc.bitcast(idx - lo_v, jnp.uint32)
                    inb = (loc_u < span_u) & extra_mask
                    loc = plsc.bitcast(jnp.minimum(loc_u, max_u), jnp.int32)
                    val = plsc.load_gather(w_v, [loc])
                    new.append(accs[g] + jnp.where(inb, val, zero_f))
                return tuple(new)
            return body

        true_v = jnp.ones((nl,), jnp.bool_)
        tail_v = jnp.full((nl,), rh == 1, jnp.bool_)
        accs = lax.fori_loop(0, 96, make_body(true_v),
                             (zero_f,) * groups, unroll=1)
        accs = lax.fori_loop(96, ROWS, make_body(tail_v), accs, unroll=1)
        for g in range(groups):
            part_v[pl.ds(g * nl, nl)] = accs[g]

        slot = (cb_local * 4 + q) * pb
        pltpu.sync_copy(part_v, shared.at[pl.ds(slot, pb)])
        plsc.subcore_barrier()
        cp_b.wait()

        @pl.when(q == 0)
        def _():
            bias = bias_v[...][0]
            pltpu.sync_copy(
                shared.at[pl.ds(slot + pb, 3 * pb)], peer_v)
            for g in range(groups):
                s = pl.ds(g * nl, nl)
                part_v[s] = (part_v[s] + peer_v[s]
                             + peer_v[pl.ds(pb + g * nl, nl)]
                             + peer_v[pl.ds(2 * pb + g * nl, nl)] + bias)
            pltpu.sync_copy(part_v, out_hbm.at[pl.ds(cb * pb, pb)])

    return k


def kernel(text, W, b):
    out = _make_kernel()(text.astype(jnp.int32), W, b)
    return out.reshape(BATCH, 1)

# --- scband reference (transcript-rebuilt; emitter-appended) ---
"""Pipeline reference for scband-log-reg-455266533602 (READ-ONLY COPY).

The authoritative reference and input builder live on the scoring server;
editing this copy changes nothing except your own understanding.
"""

import jax, jax.numpy as jnp
import numpy as np

SEQ_LEN = 200
BATCH = 1024
V = 100000


def setup_inputs(seed: int = 0) -> dict:
    key = jax.random.key(seed)
    k1, k2 = jax.random.split(key)
    text = jax.random.randint(k1, (SEQ_LEN, BATCH), 0, V, dtype=jnp.int64)
    # nn.Linear(V, 1): weight zeroed per __init__, bias uniform(-1/sqrt(V), 1/sqrt(V))
    W = jnp.zeros((1, V), dtype=jnp.float32)
    bound = 1.0 / np.sqrt(V)
    b = jax.random.uniform(k2, (1,), minval=-bound, maxval=bound, dtype=jnp.float32)
    return {"text": text, "W": W, "b": b}


def reference(text, W, b):
    # counts=True: bag-of-words count histogram per phrase (column of text)
    batch = text.shape[1]
    V_ = W.shape[1]
    word_vecs = jnp.zeros((batch, V_), dtype=jnp.float32)
    # text[:, p] lists token ids of phrase p; scatter-add 1 per occurrence == Counter counts
    phrase_ids = jnp.broadcast_to(jnp.arange(batch)[None, :], text.shape)
    word_vecs = word_vecs.at[phrase_ids, text].add(1.0)
    return word_vecs @ W.T + b


if False:  # reference __main__ guard neutralized (emitter)
    out = reference(**setup_inputs())
    print(out.shape, out.dtype)

if __name__ == "__main__":
    import jax
    _d = setup_inputs()
    print(jax.jit(kernel)(*tuple(_d.values())))

</pallas_src>

<mosaic_0001>
#map = affine_map<(d0, d1) -> (0, 0)>
#map1 = affine_map<(d0, d1) -> (0)>
module attributes {stable_mosaic.version = 14 : i64} {
  func.func @k(%arg0: i32, %arg1: i32, %arg2: memref<200x1024xi32, #tpu.memory_space<hbm>>, %arg3: memref<1x100000xf32, #tpu.memory_space<hbm>>, %arg4: memref<1xf32, #tpu.memory_space<hbm>>, %arg5: memref<1024xf32, #tpu.memory_space<hbm>>, %arg6: memref<50080xf32, #tpu.memory_space<vmem>>, %arg7: memref<104x128xi32, #tpu.memory_space<vmem>>, %arg8: memref<128xf32, #tpu.memory_space<vmem>>, %arg9: memref<384xf32, #tpu.memory_space<vmem>>, %arg10: memref<16xf32, #tpu.memory_space<vmem>>, %arg11: memref<2048xf32, #tpu.memory_space<vmem_shared>>, %arg12: memref<!tpu.dma_semaphore, #tpu.memory_space<semaphore_mem>>, %arg13: memref<!tpu.dma_semaphore, #tpu.memory_space<semaphore_mem>>, %arg14: memref<!tpu.dma_semaphore, #tpu.memory_space<semaphore_mem>>) attributes {dimension_semantics = [#tpu.dimension_semantics<core_parallel>, #tpu.dimension_semantics<subcore_parallel>], iteration_bounds = array<i64: 2, 16>, scalar_prefetch = 0 : i64, scratch_operands = 9 : i64, tpu.core_type = #tpu.core_type<sc_vector_subcore>, window_params = [{transform_indices = #map}, {transform_indices = #map}, {transform_indices = #map1}, {transform_indices = #map1}]} {
    %jit3A = arith.constant 4 : i32
    %div3A = arith.divsi %arg1, %jit3A : i32
    %sign3A = arith.constant 0 : i32
    %sign3A_0 = arith.cmpi sgt, %arg1, %sign3A : i32
    %sign3A_1 = arith.extui %sign3A_0 : i1 to i32
    %sign3A_2 = arith.constant 0 : i32
    %sign3A_3 = arith.cmpi slt, %arg1, %sign3A_2 : i32
    %sign3A_4 = arith.extui %sign3A_3 : i1 to i32
    %sign3A_5 = arith.subi %sign3A_1, %sign3A_4 : i32
    %sign3A_6 = arith.constant 0 : i32
    %sign3A_7 = arith.cmpi sgt, %jit3A, %sign3A_6 : i32
    %sign3A_8 = arith.extui %sign3A_7 : i1 to i32
    %sign3A_9 = arith.constant 0 : i32
    %sign3A_10 = arith.cmpi slt, %jit3A, %sign3A_9 : i32
    %sign3A_11 = arith.extui %sign3A_10 : i1 to i32
    %sign3A_12 = arith.subi %sign3A_8, %sign3A_11 : i32
    %ne3A = arith.cmpi ne, %sign3A_5, %sign3A_12 : i32
    %rem3A = arith.remsi %arg1, %jit3A : i32
    %ne3A_13 = arith.constant 0 : i32
    %ne3A_14 = arith.cmpi ne, %rem3A, %ne3A_13 : i32
    %and3A = arith.andi %ne3A, %ne3A_14 : i1
    %sub3A = arith.constant 1 : i32
    %sub3A_15 = arith.subi %div3A, %sub3A : i32
    %select_n3A = arith.select %and3A, %sub3A_15, %div3A : i32
    %jit3A_16 = arith.constant 4 : i32
    %eq3A = arith.constant 0 : i32
    %eq3A_17 = arith.cmpi eq, %jit3A_16, %eq3A : i32
    %jit3A_18 = arith.constant 1 : i32
    %select_n3A_19 = arith.select %eq3A_17, %jit3A_18, %jit3A_16 : i32
    %rem3A_20 = arith.remsi %arg1, %select_n3A_19 : i32
    %ne3A_21 = arith.constant 0 : i32
    %ne3A_22 = arith.cmpi ne, %rem3A_20, %ne3A_21 : i32
    %lt3A = arith.constant 0 : i32
    %lt3A_23 = arith.cmpi slt, %rem3A_20, %lt3A : i32
    %lt3A_24 = arith.constant 0 : i32
    %lt3A_25 = arith.cmpi slt, %select_n3A_19, %lt3A_24 : i32
    %ne3A_26 = arith.xori %lt3A_23, %lt3A_25 : i1
    %and3A_27 = arith.andi %ne3A_26, %ne3A_22 : i1
    %add3A = arith.addi %rem3A_20, %select_n3A_19 : i32
    %select_n3A_28 = arith.select %and3A_27, %add3A, %rem3A_20 : i32
    %jit3A_29 = arith.constant 2 : i32
    %div3A_30 = arith.divsi %select_n3A_28, %jit3A_29 : i32
    %sign3A_31 = arith.constant 0 : i32
    %sign3A_32 = arith.cmpi sgt, %select_n3A_28, %sign3A_31 : i32
    %sign3A_33 = arith.extui %sign3A_32 : i1 to i32
    %sign3A_34 = arith.constant 0 : i32
    %sign3A_35 = arith.cmpi slt, %select_n3A_28, %sign3A_34 : i32
    %sign3A_36 = arith.extui %sign3A_35 : i1 to i32
    %sign3A_37 = arith.subi %sign3A_33, %sign3A_36 : i32
    %sign3A_38 = arith.constant 0 : i32
    %sign3A_39 = arith.cmpi sgt, %jit3A_29, %sign3A_38 : i32
    %sign3A_40 = arith.extui %sign3A_39 : i1 to i32
    %sign3A_41 = arith.constant 0 : i32
    %sign3A_42 = arith.cmpi slt, %jit3A_29, %sign3A_41 : i32
    %sign3A_43 = arith.extui %sign3A_42 : i1 to i32
    %sign3A_44 = arith.subi %sign3A_40, %sign3A_43 : i32
    %ne3A_45 = arith.cmpi ne, %sign3A_37, %sign3A_44 : i32
    %rem3A_46 = arith.remsi %select_n3A_28, %jit3A_29 : i32
    %ne3A_47 = arith.constant 0 : i32
    %ne3A_48 = arith.cmpi ne, %rem3A_46, %ne3A_47 : i32
    %and3A_49 = arith.andi %ne3A_45, %ne3A_48 : i1
    %sub3A_50 = arith.constant 1 : i32
    %sub3A_51 = arith.subi %div3A_30, %sub3A_50 : i32
    %select_n3A_52 = arith.select %and3A_49, %sub3A_51, %div3A_30 : i32
    %jit3A_53 = arith.constant 2 : i32
    %eq3A_54 = arith.constant 0 : i32
    %eq3A_55 = arith.cmpi eq, %jit3A_53, %eq3A_54 : i32
    %jit3A_56 = arith.constant 1 : i32
    %select_n3A_57 = arith.select %eq3A_55, %jit3A_56, %jit3A_53 : i32
    %rem3A_58 = arith.remsi %select_n3A_28, %select_n3A_57 : i32
    %ne3A_59 = arith.constant 0 : i32
    %ne3A_60 = arith.cmpi ne, %rem3A_58, %ne3A_59 : i32
    %lt3A_61 = arith.constant 0 : i32
    %lt3A_62 = arith.cmpi slt, %rem3A_58, %lt3A_61 : i32
    %lt3A_63 = arith.constant 0 : i32
    %lt3A_64 = arith.cmpi slt, %select_n3A_57, %lt3A_63 : i32
    %ne3A_65 = arith.xori %lt3A_62, %lt3A_64 : i1
    %and3A_66 = arith.andi %ne3A_65, %ne3A_60 : i1
    %add3A_67 = arith.addi %rem3A_58, %select_n3A_57 : i32
    %select_n3A_68 = arith.select %and3A_66, %add3A_67, %rem3A_58 : i32
    %mul3A = arith.constant 4 : i32
    %mul3A_69 = arith.muli %arg0, %mul3A : i32
    %add3A_70 = arith.addi %mul3A_69, %select_n3A : i32
    %mul3A_71 = arith.constant 49920 : i32
    %mul3A_72 = arith.muli %select_n3A_68, %mul3A_71 : i32
    %add3A_73 = arith.constant 0 : i32
    %add3A_74 = arith.addi %arg1, %add3A_73 : i32
    %rem3A_75 = arith.constant 7 : i32
    %rem3A_76 = arith.remsi %add3A_74, %rem3A_75 : i32
    %mul3A_77 = arith.constant 6272 : i32
    %mul3A_78 = arith.muli %rem3A_76, %mul3A_77 : i32
    %add3A_79 = arith.addi %mul3A_72, %mul3A_78 : i32
    %mul3A_80 = arith.constant 6272 : i32
    %mul3A_81 = arith.muli %rem3A_76, %mul3A_80 : i32
    %dma_start3A = arith.constant 0 : i32
    %dma_start3A_82 = tpu.memref_slice %arg6[%mul3A_81] : memref<50080xf32, #tpu.memory_space<vmem>> -> memref<6272xf32, #tpu.memory_space<vmem>>
    %dma_start3A_83 = tpu.memref_slice %arg3[%dma_start3A, %add3A_79] : memref<1x100000xf32, #tpu.memory_space<hbm>> -> memref<1x6272xf32, #tpu.memory_space<hbm>>
    %dma_start3A_84 = tpu.memref_squeeze %dma_start3A_83 : memref<1x6272xf32, #tpu.memory_space<hbm>> -> memref<6272xf32, #tpu.memory_space<hbm>>
    %dma_start3A_85 = tpu.memref_slice %arg6[%mul3A_81] : memref<50080xf32, #tpu.memory_space<vmem>> -> memref<6272xf32, #tpu.memory_space<vmem>>
    %dma_start3A_86 = tpu.memref_slice %arg3[%dma_start3A, %add3A_79] : memref<1x100000xf32, #tpu.memory_space<hbm>> -> memref<1x6272xf32, #tpu.memory_space<hbm>>
    %dma_start3A_87 = tpu.memref_squeeze %dma_start3A_86 : memref<1x6272xf32, #tpu.memory_space<hbm>> -> memref<6272xf32, #tpu.memory_space<hbm>>
    tpu.enqueue_dma source(%dma_start3A_87 : memref<6272xf32, #tpu.memory_space<hbm>>) target(%dma_start3A_85 : memref<6272xf32, #tpu.memory_space<vmem>>) target_semaphore(%arg12 : memref<!tpu.dma_semaphore, #tpu.memory_space<semaphore_mem>>)
    %add3A_88 = arith.constant 1 : i32
    %add3A_89 = arith.addi %arg1, %add3A_88 : i32
    %rem3A_90 = arith.constant 7 : i32
    %rem3A_91 = arith.remsi %add3A_89, %rem3A_90 : i32
    %mul3A_92 = arith.constant 6272 : i32
    %mul3A_93 = arith.muli %rem3A_91, %mul3A_92 : i32
    %add3A_94 = arith.addi %mul3A_72, %mul3A_93 : i32
    %mul3A_95 = arith.constant 6272 : i32
    %mul3A_96 = arith.muli %rem3A_91, %mul3A_95 : i32
    %dma_start3A_97 = arith.constant 0 : i32
    %dma_start3A_98 = tpu.memref_slice %arg6[%mul3A_96] : memref<50080xf32, #tpu.memory_space<vmem>> -> memref<6272xf32, #tpu.memory_space<vmem>>
    %dma_start3A_99 = tpu.memref_slice %arg3[%dma_start3A_97, %add3A_94] : memref<1x100000xf32, #tpu.memory_space<hbm>> -> memref<1x6272xf32, #tpu.memory_space<hbm>>
    %dma_start3A_100 = tpu.memref_squeeze %dma_start3A_99 : memref<1x6272xf32, #tpu.memory_space<hbm>> -> memref<6272xf32, #tpu.memory_space<hbm>>
    %dma_start3A_101 = tpu.memref_slice %arg6[%mul3A_96] : memref<50080xf32, #tpu.memory_space<vmem>> -> memref<6272xf32, #tpu.memory_space<vmem>>
    %dma_start3A_102 = tpu.memref_slice %arg3[%dma_start3A_97, %add3A_94] : memref<1x100000xf32, #tpu.memory_space<hbm>> -> memref<1x6272xf32, #tpu.memory_space<hbm>>
    %dma_start3A_103 = tpu.memref_squeeze %dma_start3A_102 : memref<1x6272xf32, #tpu.memory_space<hbm>> -> memref<6272xf32, #tpu.memory_space<hbm>>
    tpu.enqueue_dma source(%dma_start3A_103 : memref<6272xf32, #tpu.memory_space<hbm>>) target(%dma_start3A_101 : memref<6272xf32, #tpu.memory_space<vmem>>) target_semaphore(%arg12 : memref<!tpu.dma_semaphore, #tpu.memory_space<semaphore_mem>>)
    %add3A_104 = arith.constant 2 : i32
    %add3A_105 = arith.addi %arg1, %add3A_104 : i32
    %rem3A_106 = arith.constant 7 : i32
    %rem3A_107 = arith.remsi %add3A_105, %rem3A_106 : i32
    %mul3A_108 = arith.constant 6272 : i32
    %mul3A_109 = arith.muli %rem3A_107, %mul3A_108 : i32
    %add3A_110 = arith.addi %mul3A_72, %mul3A_109 : i32
    %mul3A_111 = arith.constant 6272 : i32
    %mul3A_112 = arith.muli %rem3A_107, %mul3A_111 : i32
    %dma_start3A_113 = arith.constant 0 : i32
    %dma_start3A_114 = tpu.memref_slice %arg6[%mul3A_112] : memref<50080xf32, #tpu.memory_space<vmem>> -> memref<6272xf32, #tpu.memory_space<vmem>>
    %dma_start3A_115 = tpu.memref_slice %arg3[%dma_start3A_113, %add3A_110] : memref<1x100000xf32, #tpu.memory_space<hbm>> -> memref<1x6272xf32, #tpu.memory_space<hbm>>
    %dma_start3A_116 = tpu.memref_squeeze %dma_start3A_115 : memref<1x6272xf32, #tpu.memory_space<hbm>> -> memref<6272xf32, #tpu.memory_space<hbm>>
    %dma_start3A_117 = tpu.memref_slice %arg6[%mul3A_112] : memref<50080xf32, #tpu.memory_space<vmem>> -> memref<6272xf32, #tpu.memory_space<vmem>>
    %dma_start3A_118 = tpu.memref_slice %arg3[%dma_start3A_113, %add3A_110] : memref<1x100000xf32, #tpu.memory_space<hbm>> -> memref<1x6272xf32, #tpu.memory_space<hbm>>
    %dma_start3A_119 = tpu.memref_squeeze %dma_start3A_118 : memref<1x6272xf32, #tpu.memory_space<hbm>> -> memref<6272xf32, #tpu.memory_space<hbm>>
    tpu.enqueue_dma source(%dma_start3A_119 : memref<6272xf32, #tpu.memory_space<hbm>>) target(%dma_start3A_117 : memref<6272xf32, #tpu.memory_space<vmem>>) target_semaphore(%arg12 : memref<!tpu.dma_semaphore, #tpu.memory_space<semaphore_mem>>)
    %add3A_120 = arith.constant 3 : i32
    %add3A_121 = arith.addi %arg1, %add3A_120 : i32
    %rem3A_122 = arith.constant 7 : i32
    %rem3A_123 = arith.remsi %add3A_121, %rem3A_122 : i32
    %mul3A_124 = arith.constant 6272 : i32
    %mul3A_125 = arith.muli %rem3A_123, %mul3A_124 : i32
    %add3A_126 = arith.addi %mul3A_72, %mul3A_125 : i32
    %mul3A_127 = arith.constant 6272 : i32
    %mul3A_128 = arith.muli %rem3A_123, %mul3A_127 : i32
    %dma_start3A_129 = arith.constant 0 : i32
    %dma_start3A_130 = tpu.memref_slice %arg6[%mul3A_128] : memref<50080xf32, #tpu.memory_space<vmem>> -> memref<6272xf32, #tpu.memory_space<vmem>>
    %dma_start3A_131 = tpu.memref_slice %arg3[%dma_start3A_129, %add3A_126] : memref<1x100000xf32, #tpu.memory_space<hbm>> -> memref<1x6272xf32, #tpu.memory_space<hbm>>
    %dma_start3A_132 = tpu.memref_squeeze %dma_start3A_131 : memref<1x6272xf32, #tpu.memory_space<hbm>> -> memref<6272xf32, #tpu.memory_space<hbm>>
    %dma_start3A_133 = tpu.memref_slice %arg6[%mul3A_128] : memref<50080xf32, #tpu.memory_space<vmem>> -> memref<6272xf32, #tpu.memory_space<vmem>>
    %dma_start3A_134 = tpu.memref_slice %arg3[%dma_start3A_129, %add3A_126] : memref<1x100000xf32, #tpu.memory_space<hbm>> -> memref<1x6272xf32, #tpu.memory_space<hbm>>
    %dma_start3A_135 = tpu.memref_squeeze %dma_start3A_134 : memref<1x6272xf32, #tpu.memory_space<hbm>> -> memref<6272xf32, #tpu.memory_space<hbm>>
    tpu.enqueue_dma source(%dma_start3A_135 : memref<6272xf32, #tpu.memory_space<hbm>>) target(%dma_start3A_133 : memref<6272xf32, #tpu.memory_space<vmem>>) target_semaphore(%arg12 : memref<!tpu.dma_semaphore, #tpu.memory_space<semaphore_mem>>)
    %add3A_136 = arith.constant 4 : i32
    %add3A_137 = arith.addi %arg1, %add3A_136 : i32
    %rem3A_138 = arith.constant 7 : i32
    %rem3A_139 = arith.remsi %add3A_137, %rem3A_138 : i32
    %mul3A_140 = arith.constant 6272 : i32
    %mul3A_141 = arith.muli %rem3A_139, %mul3A_140 : i32
    %add3A_142 = arith.addi %mul3A_72, %mul3A_141 : i32
    %mul3A_143 = arith.constant 6272 : i32
    %mul3A_144 = arith.muli %rem3A_139, %mul3A_143 : i32
    %dma_start3A_145 = arith.constant 0 : i32
    %dma_start3A_146 = tpu.memref_slice %arg6[%mul3A_144] : memref<50080xf32, #tpu.memory_space<vmem>> -> memref<6272xf32, #tpu.memory_space<vmem>>
    %dma_start3A_147 = tpu.memref_slice %arg3[%dma_start3A_145, %add3A_142] : memref<1x100000xf32, #tpu.memory_space<hbm>> -> memref<1x6272xf32, #tpu.memory_space<hbm>>
    %dma_start3A_148 = tpu.memref_squeeze %dma_start3A_147 : memref<1x6272xf32, #tpu.memory_space<hbm>> -> memref<6272xf32, #tpu.memory_space<hbm>>
    %dma_start3A_149 = tpu.memref_slice %arg6[%mul3A_144] : memref<50080xf32, #tpu.memory_space<vmem>> -> memref<6272xf32, #tpu.memory_space<vmem>>
    %dma_start3A_150 = tpu.memref_slice %arg3[%dma_start3A_145, %add3A_142] : memref<1x100000xf32, #tpu.memory_space<hbm>> -> memref<1x6272xf32, #tpu.memory_space<hbm>>
    %dma_start3A_151 = tpu.memref_squeeze %dma_start3A_150 : memref<1x6272xf32, #tpu.memory_space<hbm>> -> memref<6272xf32, #tpu.memory_space<hbm>>
    tpu.enqueue_dma source(%dma_start3A_151 : memref<6272xf32, #tpu.memory_space<hbm>>) target(%dma_start3A_149 : memref<6272xf32, #tpu.memory_space<vmem>>) target_semaphore(%arg12 : memref<!tpu.dma_semaphore, #tpu.memory_space<semaphore_mem>>)
    %add3A_152 = arith.constant 5 : i32
    %add3A_153 = arith.addi %arg1, %add3A_152 : i32
    %rem3A_154 = arith.constant 7 : i32
    %rem3A_155 = arith.remsi %add3A_153, %rem3A_154 : i32
    %mul3A_156 = arith.constant 6272 : i32
    %mul3A_157 = arith.muli %rem3A_155, %mul3A_156 : i32
    %add3A_158 = arith.addi %mul3A_72, %mul3A_157 : i32
    %mul3A_159 = arith.constant 6272 : i32
    %mul3A_160 = arith.muli %rem3A_155, %mul3A_159 : i32
    %dma_start3A_161 = arith.constant 0 : i32
    %dma_start3A_162 = tpu.memref_slice %arg6[%mul3A_160] : memref<50080xf32, #tpu.memory_space<vmem>> -> memref<6272xf32, #tpu.memory_space<vmem>>
    %dma_start3A_163 = tpu.memref_slice %arg3[%dma_start3A_161, %add3A_158] : memref<1x100000xf32, #tpu.memory_space<hbm>> -> memref<1x6272xf32, #tpu.memory_space<hbm>>
    %dma_start3A_164 = tpu.memref_squeeze %dma_start3A_163 : memref<1x6272xf32, #tpu.memory_space<hbm>> -> memref<6272xf32, #tpu.memory_space<hbm>>
    %dma_start3A_165 = tpu.memref_slice %arg6[%mul3A_160] : memref<50080xf32, #tpu.memory_space<vmem>> -> memref<6272xf32, #tpu.memory_space<vmem>>
    %dma_start3A_166 = tpu.memref_slice %arg3[%dma_start3A_161, %add3A_158] : memref<1x100000xf32, #tpu.memory_space<hbm>> -> memref<1x6272xf32, #tpu.memory_space<hbm>>
    %dma_start3A_167 = tpu.memref_squeeze %dma_start3A_166 : memref<1x6272xf32, #tpu.memory_space<hbm>> -> memref<6272xf32, #tpu.memory_space<hbm>>
    tpu.enqueue_dma source(%dma_start3A_167 : memref<6272xf32, #tpu.memory_space<hbm>>) target(%dma_start3A_165 : memref<6272xf32, #tpu.memory_space<vmem>>) target_semaphore(%arg12 : memref<!tpu.dma_semaphore, #tpu.memory_space<semaphore_mem>>)
    %add3A_168 = arith.constant 6 : i32
    %add3A_169 = arith.addi %arg1, %add3A_168 : i32
    %rem3A_170 = arith.constant 7 : i32
    %rem3A_171 = arith.remsi %add3A_169, %rem3A_170 : i32
    %mul3A_172 = arith.constant 6272 : i32
    %mul3A_173 = arith.muli %rem3A_171, %mul3A_172 : i32
    %add3A_174 = arith.addi %mul3A_72, %mul3A_173 : i32
    %mul3A_175 = arith.constant 6272 : i32
    %mul3A_176 = arith.muli %rem3A_171, %mul3A_175 : i32
    %dma_start3A_177 = arith.constant 0 : i32
    %dma_start3A_178 = tpu.memref_slice %arg6[%mul3A_176] : memref<50080xf32, #tpu.memory_space<vmem>> -> memref<6272xf32, #tpu.memory_space<vmem>>
    %dma_start3A_179 = tpu.memref_slice %arg3[%dma_start3A_177, %add3A_174] : memref<1x100000xf32, #tpu.memory_space<hbm>> -> memref<1x6272xf32, #tpu.memory_space<hbm>>
    %dma_start3A_180 = tpu.memref_squeeze %dma_start3A_179 : memref<1x6272xf32, #tpu.memory_space<hbm>> -> memref<6272xf32, #tpu.memory_space<hbm>>
    %dma_start3A_181 = tpu.memref_slice %arg6[%mul3A_176] : memref<50080xf32, #tpu.memory_space<vmem>> -> memref<6272xf32, #tpu.memory_space<vmem>>
    %dma_start3A_182 = tpu.memref_slice %arg3[%dma_start3A_177, %add3A_174] : memref<1x100000xf32, #tpu.memory_space<hbm>> -> memref<1x6272xf32, #tpu.memory_space<hbm>>
    %dma_start3A_183 = tpu.memref_squeeze %dma_start3A_182 : memref<1x6272xf32, #tpu.memory_space<hbm>> -> memref<6272xf32, #tpu.memory_space<hbm>>
    tpu.enqueue_dma source(%dma_start3A_183 : memref<6272xf32, #tpu.memory_space<hbm>>) target(%dma_start3A_181 : memref<6272xf32, #tpu.memory_space<vmem>>) target_semaphore(%arg12 : memref<!tpu.dma_semaphore, #tpu.memory_space<semaphore_mem>>)
    %add3A_184 = arith.constant 43904 : i32
    %add3A_185 = arith.addi %mul3A_72, %add3A_184 : i32
    %dma_start3A_186 = arith.constant 0 : i32
    %dma_start3A_187 = arith.constant 43904 : i32
    %dma_start3A_188 = tpu.memref_slice %arg6[%dma_start3A_187] : memref<50080xf32, #tpu.memory_space<vmem>> -> memref<6144xf32, #tpu.memory_space<vmem>>
    %dma_start3A_189 = tpu.memref_slice %arg3[%dma_start3A_186, %add3A_185] : memref<1x100000xf32, #tpu.memory_space<hbm>> -> memref<1x6144xf32, #tpu.memory_space<hbm>>
    %dma_start3A_190 = tpu.memref_squeeze %dma_start3A_189 : memref<1x6144xf32, #tpu.memory_space<hbm>> -> memref<6144xf32, #tpu.memory_space<hbm>>
    %dma_start3A_191 = arith.constant 43904 : i32
    %dma_start3A_192 = tpu.memref_slice %arg6[%dma_start3A_191] : memref<50080xf32, #tpu.memory_space<vmem>> -> memref<6144xf32, #tpu.memory_space<vmem>>
    %dma_start3A_193 = tpu.memref_slice %arg3[%dma_start3A_186, %add3A_185] : memref<1x100000xf32, #tpu.memory_space<hbm>> -> memref<1x6144xf32, #tpu.memory_space<hbm>>
    %dma_start3A_194 = tpu.memref_squeeze %dma_start3A_193 : memref<1x6144xf32, #tpu.memory_space<hbm>> -> memref<6144xf32, #tpu.memory_space<hbm>>
    tpu.enqueue_dma source(%dma_start3A_194 : memref<6144xf32, #tpu.memory_space<hbm>>) target(%dma_start3A_192 : memref<6144xf32, #tpu.memory_space<vmem>>) target_semaphore(%arg12 : memref<!tpu.dma_semaphore, #tpu.memory_space<semaphore_mem>>)
    %add3A_195 = arith.constant 50048 : i32
    %add3A_196 = arith.addi %mul3A_72, %add3A_195 : i32
    %dma_start3A_197 = arith.constant 0 : i32
    %dma_start3A_198 = arith.constant 50048 : i32
    %dma_start3A_199 = tpu.memref_slice %arg6[%dma_start3A_198] : memref<50080xf32, #tpu.memory_space<vmem>> -> memref<32xf32, #tpu.memory_space<vmem>>
    %dma_start3A_200 = tpu.memref_slice %arg3[%dma_start3A_197, %add3A_196] : memref<1x100000xf32, #tpu.memory_space<hbm>> -> memref<1x32xf32, #tpu.memory_space<hbm>>
    %dma_start3A_201 = tpu.memref_squeeze %dma_start3A_200 : memref<1x32xf32, #tpu.memory_space<hbm>> -> memref<32xf32, #tpu.memory_space<hbm>>
    %dma_start3A_202 = arith.constant 50048 : i32
    %dma_start3A_203 = tpu.memref_slice %arg6[%dma_start3A_202] : memref<50080xf32, #tpu.memory_space<vmem>> -> memref<32xf32, #tpu.memory_space<vmem>>
    %dma_start3A_204 = tpu.memref_slice %arg3[%dma_start3A_197, %add3A_196] : memref<1x100000xf32, #tpu.memory_space<hbm>> -> memref<1x32xf32, #tpu.memory_space<hbm>>
    %dma_start3A_205 = tpu.memref_squeeze %dma_start3A_204 : memref<1x32xf32, #tpu.memory_space<hbm>> -> memref<32xf32, #tpu.memory_space<hbm>>
    tpu.enqueue_dma source(%dma_start3A_205 : memref<32xf32, #tpu.memory_space<hbm>>) target(%dma_start3A_203 : memref<32xf32, #tpu.memory_space<vmem>>) target_semaphore(%arg12 : memref<!tpu.dma_semaphore, #tpu.memory_space<semaphore_mem>>)
    %mul3A_206 = arith.constant 96 : i32
    %mul3A_207 = arith.muli %select_n3A_52, %mul3A_206 : i32
    %mul3A_208 = arith.constant 128 : i32
    %mul3A_209 = arith.muli %add3A_70, %mul3A_208 : i32
    %dma_start3A_210 = tpu.memref_slice %arg2[%mul3A_207, %mul3A_209] : memref<200x1024xi32, #tpu.memory_space<hbm>> -> memref<104x128xi32, #tpu.memory_space<hbm>>
    %dma_start3A_211 = tpu.memref_slice %arg2[%mul3A_207, %mul3A_209] : memref<200x1024xi32, #tpu.memory_space<hbm>> -> memref<104x128xi32, #tpu.memory_space<hbm>>
    tpu.enqueue_dma source(%dma_start3A_211 : memref<104x128xi32, #tpu.memory_space<hbm>>) target(%arg7 : memref<104x128xi32, #tpu.memory_space<vmem>>) target_semaphore(%arg13 : memref<!tpu.dma_semaphore, #tpu.memory_space<semaphore_mem>>)
    %dma_start3A_212 = arith.constant 0 : i32
    %dma_start3A_213 = tpu.memref_slice %arg10[%dma_start3A_212] : memref<16xf32, #tpu.memory_space<vmem>> -> memref<1xf32, #tpu.memory_space<vmem>>
    %dma_start3A_214 = arith.constant 0 : i32
    %dma_start3A_215 = tpu.memref_slice %arg10[%dma_start3A_214] : memref<16xf32, #tpu.memory_space<vmem>> -> memref<1xf32, #tpu.memory_space<vmem>>
    tpu.enqueue_dma source(%arg4 : memref<1xf32, #tpu.memory_space<hbm>>) target(%dma_start3A_215 : memref<1xf32, #tpu.memory_space<vmem>>) target_semaphore(%arg14 : memref<!tpu.dma_semaphore, #tpu.memory_space<semaphore_mem>>)
    %dma_wait3A = tpu.memref_slice %arg2[%mul3A_207, %mul3A_209] : memref<200x1024xi32, #tpu.memory_space<hbm>> -> memref<104x128xi32, #tpu.memory_space<hbm>>
    %dma_wait3A_216 = tpu.memref_slice %arg2[%mul3A_207, %mul3A_209] : memref<200x1024xi32, #tpu.memory_space<hbm>> -> memref<104x128xi32, #tpu.memory_space<hbm>>
    tpu.wait_dma2 semaphore(%arg13 : memref<!tpu.dma_semaphore, #tpu.memory_space<semaphore_mem>>) src(%dma_wait3A_216 : memref<104x128xi32, #tpu.memory_space<hbm>>) dst(%arg7 : memref<104x128xi32, #tpu.memory_space<vmem>>)
    %dma_wait3A_217 = arith.constant 0 : i32
    %dma_wait3A_218 = tpu.memref_slice %arg6[%mul3A_81] : memref<50080xf32, #tpu.memory_space<vmem>> -> memref<6272xf32, #tpu.memory_space<vmem>>
    %dma_wait3A_219 = tpu.memref_slice %arg3[%dma_wait3A_217, %add3A_79] : memref<1x100000xf32, #tpu.memory_space<hbm>> -> memref<1x6272xf32, #tpu.memory_space<hbm>>
    %dma_wait3A_220 = tpu.memref_squeeze %dma_wait3A_219 : memref<1x6272xf32, #tpu.memory_space<hbm>> -> memref<6272xf32, #tpu.memory_space<hbm>>
    %dma_wait3A_221 = tpu.memref_slice %arg6[%mul3A_81] : memref<50080xf32, #tpu.memory_space<vmem>> -> memref<6272xf32, #tpu.memory_space<vmem>>
    %dma_wait3A_222 = tpu.memref_slice %arg3[%dma_wait3A_217, %add3A_79] : memref<1x100000xf32, #tpu.memory_space<hbm>> -> memref<1x6272xf32, #tpu.memory_space<hbm>>
    %dma_wait3A_223 = tpu.memref_squeeze %dma_wait3A_222 : memref<1x6272xf32, #tpu.memory_space<hbm>> -> memref<6272xf32, #tpu.memory_space<hbm>>
    tpu.wait_dma2 semaphore(%arg12 : memref<!tpu.dma_semaphore, #tpu.memory_space<semaphore_mem>>) src(%dma_wait3A_223 : memref<6272xf32, #tpu.memory_space<hbm>>) dst(%dma_wait3A_221 : memref<6272xf32, #tpu.memory_space<vmem>>)
    %dma_wait3A_224 = arith.constant 0 : i32
    %dma_wait3A_225 = tpu.memref_slice %arg6[%mul3A_96] : memref<50080xf32, #tpu.memory_space<vmem>> -> memref<6272xf32, #tpu.memory_space<vmem>>
    %dma_wait3A_226 = tpu.memref_slice %arg3[%dma_wait3A_224, %add3A_94] : memref<1x100000xf32, #tpu.memory_space<hbm>> -> memref<1x6272xf32, #tpu.memory_space<hbm>>
    %dma_wait3A_227 = tpu.memref_squeeze %dma_wait3A_226 : memref<1x6272xf32, #tpu.memory_space<hbm>> -> memref<6272xf32, #tpu.memory_space<hbm>>
    %dma_wait3A_228 = tpu.memref_slice %arg6[%mul3A_96] : memref<50080xf32, #tpu.memory_space<vmem>> -> memref<6272xf32, #tpu.memory_space<vmem>>
    %dma_wait3A_229 = tpu.memref_slice %arg3[%dma_wait3A_224, %add3A_94] : memref<1x100000xf32, #tpu.memory_space<hbm>> -> memref<1x6272xf32, #tpu.memory_space<hbm>>
    %dma_wait3A_230 = tpu.memref_squeeze %dma_wait3A_229 : memref<1x6272xf32, #tpu.memory_space<hbm>> -> memref<6272xf32, #tpu.memory_space<hbm>>
    tpu.wait_dma2 semaphore(%arg12 : memref<!tpu.dma_semaphore, #tpu.memory_space<semaphore_mem>>) src(%dma_wait3A_230 : memref<6272xf32, #tpu.memory_space<hbm>>) dst(%dma_wait3A_228 : memref<6272xf32, #tpu.memory_space<vmem>>)
    %dma_wait3A_231 = arith.constant 0 : i32
    %dma_wait3A_232 = tpu.memref_slice %arg6[%mul3A_112] : memref<50080xf32, #tpu.memory_space<vmem>> -> memref<6272xf32, #tpu.memory_space<vmem>>
    %dma_wait3A_233 = tpu.memref_slice %arg3[%dma_wait3A_231, %add3A_110] : memref<1x100000xf32, #tpu.memory_space<hbm>> -> memref<1x6272xf32, #tpu.memory_space<hbm>>
    %dma_wait3A_234 = tpu.memref_squeeze %dma_wait3A_233 : memref<1x6272xf32, #tpu.memory_space<hbm>> -> memref<6272xf32, #tpu.memory_space<hbm>>
    %dma_wait3A_235 = tpu.memref_slice %arg6[%mul3A_112] : memref<50080xf32, #tpu.memory_space<vmem>> -> memref<6272xf32, #tpu.memory_space<vmem>>
    %dma_wait3A_236 = tpu.memref_slice %arg3[%dma_wait3A_231, %add3A_110] : memref<1x100000xf32, #tpu.memory_space<hbm>> -> memref<1x6272xf32, #tpu.memory_space<hbm>>
    %dma_wait3A_237 = tpu.memref_squeeze %dma_wait3A_236 : memref<1x6272xf32, #tpu.memory_space<hbm>> -> memref<6272xf32, #tpu.memory_space<hbm>>
    tpu.wait_dma2 semaphore(%arg12 : memref<!tpu.dma_semaphore, #tpu.memory_space<semaphore_mem>>) src(%dma_wait3A_237 : memref<6272xf32, #tpu.memory_space<hbm>>) dst(%dma_wait3A_235 : memref<6272xf32, #tpu.memory_space<vmem>>)
    %dma_wait3A_238 = arith.constant 0 : i32
    %dma_wait3A_239 = tpu.memref_slice %arg6[%mul3A_128] : memref<50080xf32, #tpu.memory_space<vmem>> -> memref<6272xf32, #tpu.memory_space<vmem>>
    %dma_wait3A_240 = tpu.memref_slice %arg3[%dma_wait3A_238, %add3A_126] : memref<1x100000xf32, #tpu.memory_space<hbm>> -> memref<1x6272xf32, #tpu.memory_space<hbm>>
    %dma_wait3A_241 = tpu.memref_squeeze %dma_wait3A_240 : memref<1x6272xf32, #tpu.memory_space<hbm>> -> memref<6272xf32, #tpu.memory_space<hbm>>
    %dma_wait3A_242 = tpu.memref_slice %arg6[%mul3A_128] : memref<50080xf32, #tpu.memory_space<vmem>> -> memref<6272xf32, #tpu.memory_space<vmem>>
    %dma_wait3A_243 = tpu.memref_slice %arg3[%dma_wait3A_238, %add3A_126] : memref<1x100000xf32, #tpu.memory_space<hbm>> -> memref<1x6272xf32, #tpu.memory_space<hbm>>
    %dma_wait3A_244 = tpu.memref_squeeze %dma_wait3A_243 : memref<1x6272xf32, #tpu.memory_space<hbm>> -> memref<6272xf32, #tpu.memory_space<hbm>>
    tpu.wait_dma2 semaphore(%arg12 : memref<!tpu.dma_semaphore, #tpu.memory_space<semaphore_mem>>) src(%dma_wait3A_244 : memref<6272xf32, #tpu.memory_space<hbm>>) dst(%dma_wait3A_242 : memref<6272xf32, #tpu.memory_space<vmem>>)
    %dma_wait3A_245 = arith.constant 0 : i32
    %dma_wait3A_246 = tpu.memref_slice %arg6[%mul3A_144] : memref<50080xf32, #tpu.memory_space<vmem>> -> memref<6272xf32, #tpu.memory_space<vmem>>
    %dma_wait3A_247 = tpu.memref_slice %arg3[%dma_wait3A_245, %add3A_142] : memref<1x100000xf32, #tpu.memory_space<hbm>> -> memref<1x6272xf32, #tpu.memory_space<hbm>>
    %dma_wait3A_248 = tpu.memref_squeeze %dma_wait3A_247 : memref<1x6272xf32, #tpu.memory_space<hbm>> -> memref<6272xf32, #tpu.memory_space<hbm>>
    %dma_wait3A_249 = tpu.memref_slice %arg6[%mul3A_144] : memref<50080xf32, #tpu.memory_space<vmem>> -> memref<6272xf32, #tpu.memory_space<vmem>>
    %dma_wait3A_250 = tpu.memref_slice %arg3[%dma_wait3A_245, %add3A_142] : memref<1x100000xf32, #tpu.memory_space<hbm>> -> memref<1x6272xf32, #tpu.memory_space<hbm>>
    %dma_wait3A_251 = tpu.memref_squeeze %dma_wait3A_250 : memref<1x6272xf32, #tpu.memory_space<hbm>> -> memref<6272xf32, #tpu.memory_space<hbm>>
    tpu.wait_dma2 semaphore(%arg12 : memref<!tpu.dma_semaphore, #tpu.memory_space<semaphore_mem>>) src(%dma_wait3A_251 : memref<6272xf32, #tpu.memory_space<hbm>>) dst(%dma_wait3A_249 : memref<6272xf32, #tpu.memory_space<vmem>>)
    %dma_wait3A_252 = arith.constant 0 : i32
    %dma_wait3A_253 = tpu.memref_slice %arg6[%mul3A_160] : memref<50080xf32, #tpu.memory_space<vmem>> -> memref<6272xf32, #tpu.memory_space<vmem>>
    %dma_wait3A_254 = tpu.memref_slice %arg3[%dma_wait3A_252, %add3A_158] : memref<1x100000xf32, #tpu.memory_space<hbm>> -> memref<1x6272xf32, #tpu.memory_space<hbm>>
    %dma_wait3A_255 = tpu.memref_squeeze %dma_wait3A_254 : memref<1x6272xf32, #tpu.memory_space<hbm>> -> memref<6272xf32, #tpu.memory_space<hbm>>
    %dma_wait3A_256 = tpu.memref_slice %arg6[%mul3A_160] : memref<50080xf32, #tpu.memory_space<vmem>> -> memref<6272xf32, #tpu.memory_space<vmem>>
    %dma_wait3A_257 = tpu.memref_slice %arg3[%dma_wait3A_252, %add3A_158] : memref<1x100000xf32, #tpu.memory_space<hbm>> -> memref<1x6272xf32, #tpu.memory_space<hbm>>
    %dma_wait3A_258 = tpu.memref_squeeze %dma_wait3A_257 : memref<1x6272xf32, #tpu.memory_space<hbm>> -> memref<6272xf32, #tpu.memory_space<hbm>>
    tpu.wait_dma2 semaphore(%arg12 : memref<!tpu.dma_semaphore, #tpu.memory_space<semaphore_mem>>) src(%dma_wait3A_258 : memref<6272xf32, #tpu.memory_space<hbm>>) dst(%dma_wait3A_256 : memref<6272xf32, #tpu.memory_space<vmem>>)
    %dma_wait3A_259 = arith.constant 0 : i32
    %dma_wait3A_260 = tpu.memref_slice %arg6[%mul3A_176] : memref<50080xf32, #tpu.memory_space<vmem>> -> memref<6272xf32, #tpu.memory_space<vmem>>
    %dma_wait3A_261 = tpu.memref_slice %arg3[%dma_wait3A_259, %add3A_174] : memref<1x100000xf32, #tpu.memory_space<hbm>> -> memref<1x6272xf32, #tpu.memory_space<hbm>>
    %dma_wait3A_262 = tpu.memref_squeeze %dma_wait3A_261 : memref<1x6272xf32, #tpu.memory_space<hbm>> -> memref<6272xf32, #tpu.memory_space<hbm>>
    %dma_wait3A_263 = tpu.memref_slice %arg6[%mul3A_176] : memref<50080xf32, #tpu.memory_space<vmem>> -> memref<6272xf32, #tpu.memory_space<vmem>>
    %dma_wait3A_264 = tpu.memref_slice %arg3[%dma_wait3A_259, %add3A_174] : memref<1x100000xf32, #tpu.memory_space<hbm>> -> memref<1x6272xf32, #tpu.memory_space<hbm>>
    %dma_wait3A_265 = tpu.memref_squeeze %dma_wait3A_264 : memref<1x6272xf32, #tpu.memory_space<hbm>> -> memref<6272xf32, #tpu.memory_space<hbm>>
    tpu.wait_dma2 semaphore(%arg12 : memref<!tpu.dma_semaphore, #tpu.memory_space<semaphore_mem>>) src(%dma_wait3A_265 : memref<6272xf32, #tpu.memory_space<hbm>>) dst(%dma_wait3A_263 : memref<6272xf32, #tpu.memory_space<vmem>>)
    %dma_wait3A_266 = arith.constant 0 : i32
    %dma_wait3A_267 = arith.constant 43904 : i32
    %dma_wait3A_268 = tpu.memref_slice %arg6[%dma_wait3A_267] : memref<50080xf32, #tpu.memory_space<vmem>> -> memref<6144xf32, #tpu.memory_space<vmem>>
    %dma_wait3A_269 = tpu.memref_slice %arg3[%dma_wait3A_266, %add3A_185] : memref<1x100000xf32, #tpu.memory_space<hbm>> -> memref<1x6144xf32, #tpu.memory_space<hbm>>
    %dma_wait3A_270 = tpu.memref_squeeze %dma_wait3A_269 : memref<1x6144xf32, #tpu.memory_space<hbm>> -> memref<6144xf32, #tpu.memory_space<hbm>>
    %dma_wait3A_271 = arith.constant 43904 : i32
    %dma_wait3A_272 = tpu.memref_slice %arg6[%dma_wait3A_271] : memref<50080xf32, #tpu.memory_space<vmem>> -> memref<6144xf32, #tpu.memory_space<vmem>>
    %dma_wait3A_273 = tpu.memref_slice %arg3[%dma_wait3A_266, %add3A_185] : memref<1x100000xf32, #tpu.memory_space<hbm>> -> memref<1x6144xf32, #tpu.memory_space<hbm>>
    %dma_wait3A_274 = tpu.memref_squeeze %dma_wait3A_273 : memref<1x6144xf32, #tpu.memory_space<hbm>> -> memref<6144xf32, #tpu.memory_space<hbm>>
    tpu.wait_dma2 semaphore(%arg12 : memref<!tpu.dma_semaphore, #tpu.memory_space<semaphore_mem>>) src(%dma_wait3A_274 : memref<6144xf32, #tpu.memory_space<hbm>>) dst(%dma_wait3A_272 : memref<6144xf32, #tpu.memory_space<vmem>>)
    %dma_wait3A_275 = arith.constant 0 : i32
    %dma_wait3A_276 = arith.constant 50048 : i32
    %dma_wait3A_277 = tpu.memref_slice %arg6[%dma_wait3A_276] : memref<50080xf32, #tpu.memory_space<vmem>> -> memref<32xf32, #tpu.memory_space<vmem>>
    %dma_wait3A_278 = tpu.memref_slice %arg3[%dma_wait3A_275, %add3A_196] : memref<1x100000xf32, #tpu.memory_space<hbm>> -> memref<1x32xf32, #tpu.memory_space<hbm>>
    %dma_wait3A_279 = tpu.memref_squeeze %dma_wait3A_278 : memref<1x32xf32, #tpu.memory_space<hbm>> -> memref<32xf32, #tpu.memory_space<hbm>>
    %dma_wait3A_280 = arith.constant 50048 : i32
    %dma_wait3A_281 = tpu.memref_slice %arg6[%dma_wait3A_280] : memref<50080xf32, #tpu.memory_space<vmem>> -> memref<32xf32, #tpu.memory_space<vmem>>
    %dma_wait3A_282 = tpu.memref_slice %arg3[%dma_wait3A_275, %add3A_196] : memref<1x100000xf32, #tpu.memory_space<hbm>> -> memref<1x32xf32, #tpu.memory_space<hbm>>
    %dma_wait3A_283 = tpu.memref_squeeze %dma_wait3A_282 : memref<1x32xf32, #tpu.memory_space<hbm>> -> memref<32xf32, #tpu.memory_space<hbm>>
    tpu.wait_dma2 semaphore(%arg12 : memref<!tpu.dma_semaphore, #tpu.memory_space<semaphore_mem>>) src(%dma_wait3A_283 : memref<32xf32, #tpu.memory_space<hbm>>) dst(%dma_wait3A_281 : memref<32xf32, #tpu.memory_space<vmem>>)
    %mul3A_284 = arith.constant 160 : i32
    %mul3A_285 = arith.muli %select_n3A_68, %mul3A_284 : i32
    %add3A_286 = arith.constant 49920 : i32
    %add3A_287 = arith.addi %add3A_286, %mul3A_285 : i32
    %broadcast_in_dim3A = vector.broadcast %mul3A_72 : i32 to vector<16xi32>
    %broadcast_in_dim3A_288 = vector.broadcast %add3A_287 : i32 to vector<16xi32>
    %broadcast_in_dim3A_289 = arith.constant 50079 : i32
    %broadcast_in_dim3A_290 = vector.broadcast %broadcast_in_dim3A_289 : i32 to vector<16xi32>
    %broadcast_in_dim3A_291 = arith.constant 0.000000e+00 : f32
    %broadcast_in_dim3A_292 = vector.broadcast %broadcast_in_dim3A_291 : f32 to vector<16xf32>
    %broadcast_in_dim3A_293 = arith.constant true
    %broadcast_in_dim3A_294 = vector.broadcast %broadcast_in_dim3A_293 : i1 to vector<16xi1>
    %eq3A_295 = arith.constant 1 : i32
    %eq3A_296 = arith.cmpi eq, %select_n3A_52, %eq3A_295 : i32
    %broadcast_in_dim3A_297 = vector.broadcast %eq3A_296 : i1 to vector<16xi1>
    %scan3A = arith.constant 0 : i32
    %scan3A_298 = arith.constant 96 : i32
    %scan3A_299 = arith.addi %scan3A, %scan3A_298 : i32
    %scan3A_300 = arith.constant 1 : i32
    %scan3A_301:8 = scf.for %scan3A_336 = %scan3A to %scan3A_299 step %scan3A_300 iter_args(%scan3A_337 = %broadcast_in_dim3A_292, %scan3A_338 = %broadcast_in_dim3A_292, %scan3A_339 = %broadcast_in_dim3A_292, %scan3A_340 = %broadcast_in_dim3A_292, %scan3A_341 = %broadcast_in_dim3A_292, %scan3A_342 = %broadcast_in_dim3A_292, %scan3A_343 = %broadcast_in_dim3A_292, %scan3A_344 = %broadcast_in_dim3A_292) -> (vector<16xf32>, vector<16xf32>, vector<16xf32>, vector<16xf32>, vector<16xf32>, vector<16xf32>, vector<16xf32>, vector<16xf32>)  : i32 {
      %get3A = arith.index_cast %scan3A_336 : i32 to index
      %get3A_345 = arith.constant 0 : index
      %get3A_346 = tpu.vector_load %arg7[%get3A, %get3A_345] {strides = array<i32>} : memref<104x128xi32, #tpu.memory_space<vmem>>, vector<16xi32>,
      %sub3A_347 = arith.subi %get3A_346, %broadcast_in_dim3A : vector<16xi32>
      %bitcast3A = vector.bitcast %sub3A_347 : vector<16xi32> to vector<16xi32>
      %lt3A_348 = arith.cmpi ult, %bitcast3A, %broadcast_in_dim3A_288 : vector<16xi32>
      %and3A_349 = arith.andi %lt3A_348, %broadcast_in_dim3A_294 : vector<16xi1>
      %min3A = arith.minui %bitcast3A, %broadcast_in_dim3A_290 : vector<16xi32>
      %bitcast3A_350 = vector.bitcast %min3A : vector<16xi32> to vector<16xi32>
      %gather3A = tpu.vector_load_idx %arg6[%bitcast3A_350] : memref<50080xf32, #tpu.memory_space<vmem>>[vector<16xi32>], vector<16xf32>,
      %select_n3A_351 = arith.select %and3A_349, %gather3A, %broadcast_in_dim3A_292 : vector<16xi1>, vector<16xf32>
      %add3A_352 = arith.addf %scan3A_337, %select_n3A_351 : vector<16xf32>
      %get3A_353 = arith.index_cast %scan3A_336 : i32 to index
      %get3A_354 = arith.constant 16 : index
      %get3A_355 = tpu.vector_load %arg7[%get3A_353, %get3A_354] {strides = array<i32>} : memref<104x128xi32, #tpu.memory_space<vmem>>, vector<16xi32>,
      %sub3A_356 = arith.subi %get3A_355, %broadcast_in_dim3A : vector<16xi32>
      %bitcast3A_357 = vector.bitcast %sub3A_356 : vector<16xi32> to vector<16xi32>
      %lt3A_358 = arith.cmpi ult, %bitcast3A_357, %broadcast_in_dim3A_288 : vector<16xi32>
      %and3A_359 = arith.andi %lt3A_358, %broadcast_in_dim3A_294 : vector<16xi1>
      %min3A_360 = arith.minui %bitcast3A_357, %broadcast_in_dim3A_290 : vector<16xi32>
      %bitcast3A_361 = vector.bitcast %min3A_360 : vector<16xi32> to vector<16xi32>
      %gather3A_362 = tpu.vector_load_idx %arg6[%bitcast3A_361] : memref<50080xf32, #tpu.memory_space<vmem>>[vector<16xi32>], vector<16xf32>,
      %select_n3A_363 = arith.select %and3A_359, %gather3A_362, %broadcast_in_dim3A_292 : vector<16xi1>, vector<16xf32>
      %add3A_364 = arith.addf %scan3A_338, %select_n3A_363 : vector<16xf32>
      %get3A_365 = arith.index_cast %scan3A_336 : i32 to index
      %get3A_366 = arith.constant 32 : index
      %get3A_367 = tpu.vector_load %arg7[%get3A_365, %get3A_366] {strides = array<i32>} : memref<104x128xi32, #tpu.memory_space<vmem>>, vector<16xi32>,
      %sub3A_368 = arith.subi %get3A_367, %broadcast_in_dim3A : vector<16xi32>
      %bitcast3A_369 = vector.bitcast %sub3A_368 : vector<16xi32> to vector<16xi32>
      %lt3A_370 = arith.cmpi ult, %bitcast3A_369, %broadcast_in_dim3A_288 : vector<16xi32>
      %and3A_371 = arith.andi %lt3A_370, %broadcast_in_dim3A_294 : vector<16xi1>
      %min3A_372 = arith.minui %bitcast3A_369, %broadcast_in_dim3A_290 : vector<16xi32>
      %bitcast3A_373 = vector.bitcast %min3A_372 : vector<16xi32> to vector<16xi32>
      %gather3A_374 = tpu.vector_load_idx %arg6[%bitcast3A_373] : memref<50080xf32, #tpu.memory_space<vmem>>[vector<16xi32>], vector<16xf32>,
      %select_n3A_375 = arith.select %and3A_371, %gather3A_374, %broadcast_in_dim3A_292 : vector<16xi1>, vector<16xf32>
      %add3A_376 = arith.addf %scan3A_339, %select_n3A_375 : vector<16xf32>
      %get3A_377 = arith.index_cast %scan3A_336 : i32 to index
      %get3A_378 = arith.constant 48 : index
      %get3A_379 = tpu.vector_load %arg7[%get3A_377, %get3A_378] {strides = array<i32>} : memref<104x128xi32, #tpu.memory_space<vmem>>, vector<16xi32>,
      %sub3A_380 = arith.subi %get3A_379, %broadcast_in_dim3A : vector<16xi32>
      %bitcast3A_381 = vector.bitcast %sub3A_380 : vector<16xi32> to vector<16xi32>
      %lt3A_382 = arith.cmpi ult, %bitcast3A_381, %broadcast_in_dim3A_288 : vector<16xi32>
      %and3A_383 = arith.andi %lt3A_382, %broadcast_in_dim3A_294 : vector<16xi1>
      %min3A_384 = arith.minui %bitcast3A_381, %broadcast_in_dim3A_290 : vector<16xi32>
      %bitcast3A_385 = vector.bitcast %min3A_384 : vector<16xi32> to vector<16xi32>
      %gather3A_386 = tpu.vector_load_idx %arg6[%bitcast3A_385] : memref<50080xf32, #tpu.memory_space<vmem>>[vector<16xi32>], vector<16xf32>,
      %select_n3A_387 = arith.select %and3A_383, %gather3A_386, %broadcast_in_dim3A_292 : vector<16xi1>, vector<16xf32>
      %add3A_388 = arith.addf %scan3A_340, %select_n3A_387 : vector<16xf32>
      %get3A_389 = arith.index_cast %scan3A_336 : i32 to index
      %get3A_390 = arith.constant 64 : index
      %get3A_391 = tpu.vector_load %arg7[%get3A_389, %get3A_390] {strides = array<i32>} : memref<104x128xi32, #tpu.memory_space<vmem>>, vector<16xi32>,
      %sub3A_392 = arith.subi %get3A_391, %broadcast_in_dim3A : vector<16xi32>
      %bitcast3A_393 = vector.bitcast %sub3A_392 : vector<16xi32> to vector<16xi32>
      %lt3A_394 = arith.cmpi ult, %bitcast3A_393, %broadcast_in_dim3A_288 : vector<16xi32>
      %and3A_395 = arith.andi %lt3A_394, %broadcast_in_dim3A_294 : vector<16xi1>
      %min3A_396 = arith.minui %bitcast3A_393, %broadcast_in_dim3A_290 : vector<16xi32>
      %bitcast3A_397 = vector.bitcast %min3A_396 : vector<16xi32> to vector<16xi32>
      %gather3A_398 = tpu.vector_load_idx %arg6[%bitcast3A_397] : memref<50080xf32, #tpu.memory_space<vmem>>[vector<16xi32>], vector<16xf32>,
      %select_n3A_399 = arith.select %and3A_395, %gather3A_398, %broadcast_in_dim3A_292 : vector<16xi1>, vector<16xf32>
      %add3A_400 = arith.addf %scan3A_341, %select_n3A_399 : vector<16xf32>
      %get3A_401 = arith.index_cast %scan3A_336 : i32 to index
      %get3A_402 = arith.constant 80 : index
      %get3A_403 = tpu.vector_load %arg7[%get3A_401, %get3A_402] {strides = array<i32>} : memref<104x128xi32, #tpu.memory_space<vmem>>, vector<16xi32>,
      %sub3A_404 = arith.subi %get3A_403, %broadcast_in_dim3A : vector<16xi32>
      %bitcast3A_405 = vector.bitcast %sub3A_404 : vector<16xi32> to vector<16xi32>
      %lt3A_406 = arith.cmpi ult, %bitcast3A_405, %broadcast_in_dim3A_288 : vector<16xi32>
      %and3A_407 = arith.andi %lt3A_406, %broadcast_in_dim3A_294 : vector<16xi1>
      %min3A_408 = arith.minui %bitcast3A_405, %broadcast_in_dim3A_290 : vector<16xi32>
      %bitcast3A_409 = vector.bitcast %min3A_408 : vector<16xi32> to vector<16xi32>
      %gather3A_410 = tpu.vector_load_idx %arg6[%bitcast3A_409] : memref<50080xf32, #tpu.memory_space<vmem>>[vector<16xi32>], vector<16xf32>,
      %select_n3A_411 = arith.select %and3A_407, %gather3A_410, %broadcast_in_dim3A_292 : vector<16xi1>, vector<16xf32>
      %add3A_412 = arith.addf %scan3A_342, %select_n3A_411 : vector<16xf32>
      %get3A_413 = arith.index_cast %scan3A_336 : i32 to index
      %get3A_414 = arith.constant 96 : index
      %get3A_415 = tpu.vector_load %arg7[%get3A_413, %get3A_414] {strides = array<i32>} : memref<104x128xi32, #tpu.memory_space<vmem>>, vector<16xi32>,
      %sub3A_416 = arith.subi %get3A_415, %broadcast_in_dim3A : vector<16xi32>
      %bitcast3A_417 = vector.bitcast %sub3A_416 : vector<16xi32> to vector<16xi32>
      %lt3A_418 = arith.cmpi ult, %bitcast3A_417, %broadcast_in_dim3A_288 : vector<16xi32>
      %and3A_419 = arith.andi %lt3A_418, %broadcast_in_dim3A_294 : vector<16xi1>
      %min3A_420 = arith.minui %bitcast3A_417, %broadcast_in_dim3A_290 : vector<16xi32>
      %bitcast3A_421 = vector.bitcast %min3A_420 : vector<16xi32> to vector<16xi32>
      %gather3A_422 = tpu.vector_load_idx %arg6[%bitcast3A_421] : memref<50080xf32, #tpu.memory_space<vmem>>[vector<16xi32>], vector<16xf32>,
      %select_n3A_423 = arith.select %and3A_419, %gather3A_422, %broadcast_in_dim3A_292 : vector<16xi1>, vector<16xf32>
      %add3A_424 = arith.addf %scan3A_343, %select_n3A_423 : vector<16xf32>
      %get3A_425 = arith.index_cast %scan3A_336 : i32 to index
      %get3A_426 = arith.constant 112 : index
      %get3A_427 = tpu.vector_load %arg7[%get3A_425, %get3A_426] {strides = array<i32>} : memref<104x128xi32, #tpu.memory_space<vmem>>, vector<16xi32>,
      %sub3A_428 = arith.subi %get3A_427, %broadcast_in_dim3A : vector<16xi32>
      %bitcast3A_429 = vector.bitcast %sub3A_428 : vector<16xi32> to vector<16xi32>
      %lt3A_430 = arith.cmpi ult, %bitcast3A_429, %broadcast_in_dim3A_288 : vector<16xi32>
      %and3A_431 = arith.andi %lt3A_430, %broadcast_in_dim3A_294 : vector<16xi1>
      %min3A_432 = arith.minui %bitcast3A_429, %broadcast_in_dim3A_290 : vector<16xi32>
      %bitcast3A_433 = vector.bitcast %min3A_432 : vector<16xi32> to vector<16xi32>
      %gather3A_434 = tpu.vector_load_idx %arg6[%bitcast3A_433] : memref<50080xf32, #tpu.memory_space<vmem>>[vector<16xi32>], vector<16xf32>,
      %select_n3A_435 = arith.select %and3A_431, %gather3A_434, %broadcast_in_dim3A_292 : vector<16xi1>, vector<16xf32>
      %add3A_436 = arith.addf %scan3A_344, %select_n3A_435 : vector<16xf32>
      scf.yield %add3A_352, %add3A_364, %add3A_376, %add3A_388, %add3A_400, %add3A_412, %add3A_424, %add3A_436 : vector<16xf32>, vector<16xf32>, vector<16xf32>, vector<16xf32>, vector<16xf32>, vector<16xf32>, vector<16xf32>, vector<16xf32>
    }
    %scan3A_302 = arith.constant 96 : i32
    %scan3A_303 = arith.constant 96 : i32
    %scan3A_304 = arith.constant 8 : i32
    %scan3A_305 = arith.addi %scan3A_303, %scan3A_304 : i32
    %scan3A_306 = arith.constant 1 : i32
    %scan3A_307:8 = scf.for %scan3A_336 = %scan3A_303 to %scan3A_305 step %scan3A_306 iter_args(%scan3A_337 = %scan3A_301#0, %scan3A_338 = %scan3A_301#1, %scan3A_339 = %scan3A_301#2, %scan3A_340 = %scan3A_301#3, %scan3A_341 = %scan3A_301#4, %scan3A_342 = %scan3A_301#5, %scan3A_343 = %scan3A_301#6, %scan3A_344 = %scan3A_301#7) -> (vector<16xf32>, vector<16xf32>, vector<16xf32>, vector<16xf32>, vector<16xf32>, vector<16xf32>, vector<16xf32>, vector<16xf32>)  : i32 {
      %get3A = arith.index_cast %scan3A_336 : i32 to index
      %get3A_345 = arith.constant 0 : index
      %get3A_346 = tpu.vector_load %arg7[%get3A, %get3A_345] {strides = array<i32>} : memref<104x128xi32, #tpu.memory_space<vmem>>, vector<16xi32>,
      %sub3A_347 = arith.subi %get3A_346, %broadcast_in_dim3A : vector<16xi32>
      %bitcast3A = vector.bitcast %sub3A_347 : vector<16xi32> to vector<16xi32>
      %lt3A_348 = arith.cmpi ult, %bitcast3A, %broadcast_in_dim3A_288 : vector<16xi32>
      %and3A_349 = arith.andi %lt3A_348, %broadcast_in_dim3A_297 : vector<16xi1>
      %min3A = arith.minui %bitcast3A, %broadcast_in_dim3A_290 : vector<16xi32>
      %bitcast3A_350 = vector.bitcast %min3A : vector<16xi32> to vector<16xi32>
      %gather3A = tpu.vector_load_idx %arg6[%bitcast3A_350] : memref<50080xf32, #tpu.memory_space<vmem>>[vector<16xi32>], vector<16xf32>,
      %select_n3A_351 = arith.select %and3A_349, %gather3A, %broadcast_in_dim3A_292 : vector<16xi1>, vector<16xf32>
      %add3A_352 = arith.addf %scan3A_337, %select_n3A_351 : vector<16xf32>
      %get3A_353 = arith.index_cast %scan3A_336 : i32 to index
      %get3A_354 = arith.constant 16 : index
      %get3A_355 = tpu.vector_load %arg7[%get3A_353, %get3A_354] {strides = array<i32>} : memref<104x128xi32, #tpu.memory_space<vmem>>, vector<16xi32>,
      %sub3A_356 = arith.subi %get3A_355, %broadcast_in_dim3A : vector<16xi32>
      %bitcast3A_357 = vector.bitcast %sub3A_356 : vector<16xi32> to vector<16xi32>
      %lt3A_358 = arith.cmpi ult, %bitcast3A_357, %broadcast_in_dim3A_288 : vector<16xi32>
      %and3A_359 = arith.andi %lt3A_358, %broadcast_in_dim3A_297 : vector<16xi1>
      %min3A_360 = arith.minui %bitcast3A_357, %broadcast_in_dim3A_290 : vector<16xi32>
      %bitcast3A_361 = vector.bitcast %min3A_360 : vector<16xi32> to vector<16xi32>
      %gather3A_362 = tpu.vector_load_idx %arg6[%bitcast3A_361] : memref<50080xf32, #tpu.memory_space<vmem>>[vector<16xi32>], vector<16xf32>,
      %select_n3A_363 = arith.select %and3A_359, %gather3A_362, %broadcast_in_dim3A_292 : vector<16xi1>, vector<16xf32>
      %add3A_364 = arith.addf %scan3A_338, %select_n3A_363 : vector<16xf32>
      %get3A_365 = arith.index_cast %scan3A_336 : i32 to index
      %get3A_366 = arith.constant 32 : index
      %get3A_367 = tpu.vector_load %arg7[%get3A_365, %get3A_366] {strides = array<i32>} : memref<104x128xi32, #tpu.memory_space<vmem>>, vector<16xi32>,
      %sub3A_368 = arith.subi %get3A_367, %broadcast_in_dim3A : vector<16xi32>
      %bitcast3A_369 = vector.bitcast %sub3A_368 : vector<16xi32> to vector<16xi32>
      %lt3A_370 = arith.cmpi ult, %bitcast3A_369, %broadcast_in_dim3A_288 : vector<16xi32>
      %and3A_371 = arith.andi %lt3A_370, %broadcast_in_dim3A_297 : vector<16xi1>
      %min3A_372 = arith.minui %bitcast3A_369, %broadcast_in_dim3A_290 : vector<16xi32>
      %bitcast3A_373 = vector.bitcast %min3A_372 : vector<16xi32> to vector<16xi32>
      %gather3A_374 = tpu.vector_load_idx %arg6[%bitcast3A_373] : memref<50080xf32, #tpu.memory_space<vmem>>[vector<16xi32>], vector<16xf32>,
      %select_n3A_375 = arith.select %and3A_371, %gather3A_374, %broadcast_in_dim3A_292 : vector<16xi1>, vector<16xf32>
      %add3A_376 = arith.addf %scan3A_339, %select_n3A_375 : vector<16xf32>
      %get3A_377 = arith.index_cast %scan3A_336 : i32 to index
      %get3A_378 = arith.constant 48 : index
      %get3A_379 = tpu.vector_load %arg7[%get3A_377, %get3A_378] {strides = array<i32>} : memref<104x128xi32, #tpu.memory_space<vmem>>, vector<16xi32>,
      %sub3A_380 = arith.subi %get3A_379, %broadcast_in_dim3A : vector<16xi32>
      %bitcast3A_381 = vector.bitcast %sub3A_380 : vector<16xi32> to vector<16xi32>
      %lt3A_382 = arith.cmpi ult, %bitcast3A_381, %broadcast_in_dim3A_288 : vector<16xi32>
      %and3A_383 = arith.andi %lt3A_382, %broadcast_in_dim3A_297 : vector<16xi1>
      %min3A_384 = arith.minui %bitcast3A_381, %broadcast_in_dim3A_290 : vector<16xi32>
      %bitcast3A_385 = vector.bitcast %min3A_384 : vector<16xi32> to vector<16xi32>
      %gather3A_386 = tpu.vector_load_idx %arg6[%bitcast3A_385] : memref<50080xf32, #tpu.memory_space<vmem>>[vector<16xi32>], vector<16xf32>,
      %select_n3A_387 = arith.select %and3A_383, %gather3A_386, %broadcast_in_dim3A_292 : vector<16xi1>, vector<16xf32>
      %add3A_388 = arith.addf %scan3A_340, %select_n3A_387 : vector<16xf32>
      %get3A_389 = arith.index_cast %scan3A_336 : i32 to index
      %get3A_390 = arith.constant 64 : index
      %get3A_391 = tpu.vector_load %arg7[%get3A_389, %get3A_390] {strides = array<i32>} : memref<104x128xi32, #tpu.memory_space<vmem>>, vector<16xi32>,
      %sub3A_392 = arith.subi %get3A_391, %broadcast_in_dim3A : vector<16xi32>
      %bitcast3A_393 = vector.bitcast %sub3A_392 : vector<16xi32> to vector<16xi32>
      %lt3A_394 = arith.cmpi ult, %bitcast3A_393, %broadcast_in_dim3A_288 : vector<16xi32>
      %and3A_395 = arith.andi %lt3A_394, %broadcast_in_dim3A_297 : vector<16xi1>
      %min3A_396 = arith.minui %bitcast3A_393, %broadcast_in_dim3A_290 : vector<16xi32>
      %bitcast3A_397 = vector.bitcast %min3A_396 : vector<16xi32> to vector<16xi32>
      %gather3A_398 = tpu.vector_load_idx %arg6[%bitcast3A_397] : memref<50080xf32, #tpu.memory_space<vmem>>[vector<16xi32>], vector<16xf32>,
      %select_n3A_399 = arith.select %and3A_395, %gather3A_398, %broadcast_in_dim3A_292 : vector<16xi1>, vector<16xf32>
      %add3A_400 = arith.addf %scan3A_341, %select_n3A_399 : vector<16xf32>
      %get3A_401 = arith.index_cast %scan3A_336 : i32 to index
      %get3A_402 = arith.constant 80 : index
      %get3A_403 = tpu.vector_load %arg7[%get3A_401, %get3A_402] {strides = array<i32>} : memref<104x128xi32, #tpu.memory_space<vmem>>, vector<16xi32>,
      %sub3A_404 = arith.subi %get3A_403, %broadcast_in_dim3A : vector<16xi32>
      %bitcast3A_405 = vector.bitcast %sub3A_404 : vector<16xi32> to vector<16xi32>
      %lt3A_406 = arith.cmpi ult, %bitcast3A_405, %broadcast_in_dim3A_288 : vector<16xi32>
      %and3A_407 = arith.andi %lt3A_406, %broadcast_in_dim3A_297 : vector<16xi1>
      %min3A_408 = arith.minui %bitcast3A_405, %broadcast_in_dim3A_290 : vector<16xi32>
      %bitcast3A_409 = vector.bitcast %min3A_408 : vector<16xi32> to vector<16xi32>
      %gather3A_410 = tpu.vector_load_idx %arg6[%bitcast3A_409] : memref<50080xf32, #tpu.memory_space<vmem>>[vector<16xi32>], vector<16xf32>,
      %select_n3A_411 = arith.select %and3A_407, %gather3A_410, %broadcast_in_dim3A_292 : vector<16xi1>, vector<16xf32>
      %add3A_412 = arith.addf %scan3A_342, %select_n3A_411 : vector<16xf32>
      %get3A_413 = arith.index_cast %scan3A_336 : i32 to index
      %get3A_414 = arith.constant 96 : index
      %get3A_415 = tpu.vector_load %arg7[%get3A_413, %get3A_414] {strides = array<i32>} : memref<104x128xi32, #tpu.memory_space<vmem>>, vector<16xi32>,
      %sub3A_416 = arith.subi %get3A_415, %broadcast_in_dim3A : vector<16xi32>
      %bitcast3A_417 = vector.bitcast %sub3A_416 : vector<16xi32> to vector<16xi32>
      %lt3A_418 = arith.cmpi ult, %bitcast3A_417, %broadcast_in_dim3A_288 : vector<16xi32>
      %and3A_419 = arith.andi %lt3A_418, %broadcast_in_dim3A_297 : vector<16xi1>
      %min3A_420 = arith.minui %bitcast3A_417, %broadcast_in_dim3A_290 : vector<16xi32>
      %bitcast3A_421 = vector.bitcast %min3A_420 : vector<16xi32> to vector<16xi32>
      %gather3A_422 = tpu.vector_load_idx %arg6[%bitcast3A_421] : memref<50080xf32, #tpu.memory_space<vmem>>[vector<16xi32>], vector<16xf32>,
      %select_n3A_423 = arith.select %and3A_419, %gather3A_422, %broadcast_in_dim3A_292 : vector<16xi1>, vector<16xf32>
      %add3A_424 = arith.addf %scan3A_343, %select_n3A_423 : vector<16xf32>
      %get3A_425 = arith.index_cast %scan3A_336 : i32 to index
      %get3A_426 = arith.constant 112 : index
      %get3A_427 = tpu.vector_load %arg7[%get3A_425, %get3A_426] {strides = array<i32>} : memref<104x128xi32, #tpu.memory_space<vmem>>, vector<16xi32>,
      %sub3A_428 = arith.subi %get3A_427, %broadcast_in_dim3A : vector<16xi32>
      %bitcast3A_429 = vector.bitcast %sub3A_428 : vector<16xi32> to vector<16xi32>
      %lt3A_430 = arith.cmpi ult, %bitcast3A_429, %broadcast_in_dim3A_288 : vector<16xi32>
      %and3A_431 = arith.andi %lt3A_430, %broadcast_in_dim3A_297 : vector<16xi1>
      %min3A_432 = arith.minui %bitcast3A_429, %broadcast_in_dim3A_290 : vector<16xi32>
      %bitcast3A_433 = vector.bitcast %min3A_432 : vector<16xi32> to vector<16xi32>
      %gather3A_434 = tpu.vector_load_idx %arg6[%bitcast3A_433] : memref<50080xf32, #tpu.memory_space<vmem>>[vector<16xi32>], vector<16xf32>,
      %select_n3A_435 = arith.select %and3A_431, %gather3A_434, %broadcast_in_dim3A_292 : vector<16xi1>, vector<16xf32>
      %add3A_436 = arith.addf %scan3A_344, %select_n3A_435 : vector<16xf32>
      scf.yield %add3A_352, %add3A_364, %add3A_376, %add3A_388, %add3A_400, %add3A_412, %add3A_424, %add3A_436 : vector<16xf32>, vector<16xf32>, vector<16xf32>, vector<16xf32>, vector<16xf32>, vector<16xf32>, vector<16xf32>, vector<16xf32>
    }
    %scan3A_308 = arith.constant 8 : i32
    %swap3A = arith.constant 0 : index
    %swap3A_309 = tpu.vector_load %arg8[%swap3A] {strides = array<i32>} : memref<128xf32, #tpu.memory_space<vmem>>, vector<16xf32>,
    tpu.vector_store %arg8[%swap3A], %scan3A_307#0 {strides = array<i32>} : memref<128xf32, #tpu.memory_space<vmem>>, vector<16xf32>,
    %swap3A_310 = arith.constant 16 : index
    %swap3A_311 = tpu.vector_load %arg8[%swap3A_310] {strides = array<i32>} : memref<128xf32, #tpu.memory_space<vmem>>, vector<16xf32>,
    tpu.vector_store %arg8[%swap3A_310], %scan3A_307#1 {strides = array<i32>} : memref<128xf32, #tpu.memory_space<vmem>>, vector<16xf32>,
    %swap3A_312 = arith.constant 32 : index
    %swap3A_313 = tpu.vector_load %arg8[%swap3A_312] {strides = array<i32>} : memref<128xf32, #tpu.memory_space<vmem>>, vector<16xf32>,
    tpu.vector_store %arg8[%swap3A_312], %scan3A_307#2 {strides = array<i32>} : memref<128xf32, #tpu.memory_space<vmem>>, vector<16xf32>,
    %swap3A_314 = arith.constant 48 : index
    %swap3A_315 = tpu.vector_load %arg8[%swap3A_314] {strides = array<i32>} : memref<128xf32, #tpu.memory_space<vmem>>, vector<16xf32>,
    tpu.vector_store %arg8[%swap3A_314], %scan3A_307#3 {strides = array<i32>} : memref<128xf32, #tpu.memory_space<vmem>>, vector<16xf32>,
    %swap3A_316 = arith.constant 64 : index
    %swap3A_317 = tpu.vector_load %arg8[%swap3A_316] {strides = array<i32>} : memref<128xf32, #tpu.memory_space<vmem>>, vector<16xf32>,
    tpu.vector_store %arg8[%swap3A_316], %scan3A_307#4 {strides = array<i32>} : memref<128xf32, #tpu.memory_space<vmem>>, vector<16xf32>,
    %swap3A_318 = arith.constant 80 : index
    %swap3A_319 = tpu.vector_load %arg8[%swap3A_318] {strides = array<i32>} : memref<128xf32, #tpu.memory_space<vmem>>, vector<16xf32>,
    tpu.vector_store %arg8[%swap3A_318], %scan3A_307#5 {strides = array<i32>} : memref<128xf32, #tpu.memory_space<vmem>>, vector<16xf32>,
    %swap3A_320 = arith.constant 96 : index
    %swap3A_321 = tpu.vector_load %arg8[%swap3A_320] {strides = array<i32>} : memref<128xf32, #tpu.memory_space<vmem>>, vector<16xf32>,
    tpu.vector_store %arg8[%swap3A_320], %scan3A_307#6 {strides = array<i32>} : memref<128xf32, #tpu.memory_space<vmem>>, vector<16xf32>,
    %swap3A_322 = arith.constant 112 : index
    %swap3A_323 = tpu.vector_load %arg8[%swap3A_322] {strides = array<i32>} : memref<128xf32, #tpu.memory_space<vmem>>, vector<16xf32>,
    tpu.vector_store %arg8[%swap3A_322], %scan3A_307#7 {strides = array<i32>} : memref<128xf32, #tpu.memory_space<vmem>>, vector<16xf32>,
    %mul3A_324 = arith.constant 4 : i32
    %mul3A_325 = arith.muli %select_n3A, %mul3A_324 : i32
    %add3A_326 = arith.addi %mul3A_325, %select_n3A_28 : i32
    %mul3A_327 = arith.constant 128 : i32
    %mul3A_328 = arith.muli %add3A_326, %mul3A_327 : i32
    "tpu.region"() ({
      %run_scoped3A = tpu.sem_alloc : memref<!tpu.dma_semaphore, #tpu.memory_space<semaphore_mem>>
      %dma_start3A_336 = tpu.memref_slice %arg11[%mul3A_328] : memref<2048xf32, #tpu.memory_space<vmem_shared>> -> memref<128xf32, #tpu.memory_space<vmem_shared>>
      %dma_start3A_337 = tpu.memref_slice %arg11[%mul3A_328] : memref<2048xf32, #tpu.memory_space<vmem_shared>> -> memref<128xf32, #tpu.memory_space<vmem_shared>>
      tpu.enqueue_dma source(%arg8 : memref<128xf32, #tpu.memory_space<vmem>>) target(%dma_start3A_337 : memref<128xf32, #tpu.memory_space<vmem_shared>>) target_semaphore(%run_scoped3A : memref<!tpu.dma_semaphore, #tpu.memory_space<semaphore_mem>>)
      %dma_wait3A_338 = tpu.memref_slice %arg11[%mul3A_328] : memref<2048xf32, #tpu.memory_space<vmem_shared>> -> memref<128xf32, #tpu.memory_space<vmem_shared>>
      %dma_wait3A_339 = tpu.memref_slice %arg11[%mul3A_328] : memref<2048xf32, #tpu.memory_space<vmem_shared>> -> memref<128xf32, #tpu.memory_space<vmem_shared>>
      tpu.wait_dma2 semaphore(%run_scoped3A : memref<!tpu.dma_semaphore, #tpu.memory_space<semaphore_mem>>) src(%arg8 : memref<128xf32, #tpu.memory_space<vmem>>) dst(%dma_wait3A_339 : memref<128xf32, #tpu.memory_space<vmem_shared>>)
      tpu.yield
    }) : () -> ()
    %barrier3A = arith.constant 0 : index
    tpu.barrier barrier_id(%barrier3A)
    %dma_wait3A_329 = arith.constant 0 : i32
    %dma_wait3A_330 = tpu.memref_slice %arg10[%dma_wait3A_329] : memref<16xf32, #tpu.memory_space<vmem>> -> memref<1xf32, #tpu.memory_space<vmem>>
    %dma_wait3A_331 = arith.constant 0 : i32
    %dma_wait3A_332 = tpu.memref_slice %arg10[%dma_wait3A_331] : memref<16xf32, #tpu.memory_space<vmem>> -> memref<1xf32, #tpu.memory_space<vmem>>
    tpu.wait_dma2 semaphore(%arg14 : memref<!tpu.dma_semaphore, #tpu.memory_space<semaphore_mem>>) src(%arg4 : memref<1xf32, #tpu.memory_space<hbm>>) dst(%dma_wait3A_332 : memref<1xf32, #tpu.memory_space<vmem>>)
    %eq3A_333 = arith.constant 0 : i32
    %eq3A_334 = arith.cmpi eq, %select_n3A_28, %eq3A_333 : i32
    %convert_element_type3A = arith.extui %eq3A_334 : i1 to i32
    %cond3A = arith.constant 0 : i32
    %cond3A_335 = arith.cmpi ne, %convert_element_type3A, %cond3A : i32
    scf.if %cond3A_335 {
      %get3A = arith.constant 0 : index
      %get3A_336 = tpu.vector_load %arg10[%get3A] {strides = array<i32>} : memref<16xf32, #tpu.memory_space<vmem>>, vector<16xf32>,
      %slice3A = vector.extract_strided_slice %get3A_336 {offsets = [0], sizes = [1], strides = [1]} : vector<16xf32> to vector<1xf32>
      %squeeze3A = vector.extract %slice3A[0] : f32 from vector<1xf32>
      %add3A_337 = arith.constant 128 : i32
      %add3A_338 = arith.addi %mul3A_328, %add3A_337 : i32
      "tpu.region"() ({
        %run_scoped3A = tpu.sem_alloc : memref<!tpu.dma_semaphore, #tpu.memory_space<semaphore_mem>>
        %dma_start3A_461 = tpu.memref_slice %arg11[%add3A_338] : memref<2048xf32, #tpu.memory_space<vmem_shared>> -> memref<384xf32, #tpu.memory_space<vmem_shared>>
        %dma_start3A_462 = tpu.memref_slice %arg11[%add3A_338] : memref<2048xf32, #tpu.memory_space<vmem_shared>> -> memref<384xf32, #tpu.memory_space<vmem_shared>>
        tpu.enqueue_dma source(%dma_start3A_462 : memref<384xf32, #tpu.memory_space<vmem_shared>>) target(%arg9 : memref<384xf32, #tpu.memory_space<vmem>>) target_semaphore(%run_scoped3A : memref<!tpu.dma_semaphore, #tpu.memory_space<semaphore_mem>>)
        %dma_wait3A_463 = tpu.memref_slice %arg11[%add3A_338] : memref<2048xf32, #tpu.memory_space<vmem_shared>> -> memref<384xf32, #tpu.memory_space<vmem_shared>>
        %dma_wait3A_464 = tpu.memref_slice %arg11[%add3A_338] : memref<2048xf32, #tpu.memory_space<vmem_shared>> -> memref<384xf32, #tpu.memory_space<vmem_shared>>
        tpu.wait_dma2 semaphore(%run_scoped3A : memref<!tpu.dma_semaphore, #tpu.memory_space<semaphore_mem>>) src(%dma_wait3A_464 : memref<384xf32, #tpu.memory_space<vmem_shared>>) dst(%arg9 : memref<384xf32, #tpu.memory_space<vmem>>)
        tpu.yield
      }) : () -> ()
      %get3A_339 = arith.constant 0 : index
      %get3A_340 = tpu.vector_load %arg8[%get3A_339] {strides = array<i32>} : memref<128xf32, #tpu.memory_space<vmem>>, vector<16xf32>,
      %get3A_341 = arith.constant 0 : index
      %get3A_342 = tpu.vector_load %arg9[%get3A_341] {strides = array<i32>} : memref<384xf32, #tpu.memory_space<vmem>>, vector<16xf32>,
      %add3A_343 = arith.addf %get3A_340, %get3A_342 : vector<16xf32>
      %get3A_344 = arith.constant 128 : index
      %get3A_345 = tpu.vector_load %arg9[%get3A_344] {strides = array<i32>} : memref<384xf32, #tpu.memory_space<vmem>>, vector<16xf32>,
      %add3A_346 = arith.addf %add3A_343, %get3A_345 : vector<16xf32>
      %get3A_347 = arith.constant 256 : index
      %get3A_348 = tpu.vector_load %arg9[%get3A_347] {strides = array<i32>} : memref<384xf32, #tpu.memory_space<vmem>>, vector<16xf32>,
      %add3A_349 = arith.addf %add3A_346, %get3A_348 : vector<16xf32>
      %add3A_350 = vector.broadcast %squeeze3A : f32 to vector<16xf32>
      %add3A_351 = arith.addf %add3A_349, %add3A_350 : vector<16xf32>
      %swap3A_352 = arith.constant 0 : index
      %swap3A_353 = tpu.vector_load %arg8[%swap3A_352] {strides = array<i32>} : memref<128xf32, #tpu.memory_space<vmem>>, vector<16xf32>,
      tpu.vector_store %arg8[%swap3A_352], %add3A_351 {strides = array<i32>} : memref<128xf32, #tpu.memory_space<vmem>>, vector<16xf32>,
      %get3A_354 = arith.constant 16 : index
      %get3A_355 = tpu.vector_load %arg8[%get3A_354] {strides = array<i32>} : memref<128xf32, #tpu.memory_space<vmem>>, vector<16xf32>,
      %get3A_356 = arith.constant 16 : index
      %get3A_357 = tpu.vector_load %arg9[%get3A_356] {strides = array<i32>} : memref<384xf32, #tpu.memory_space<vmem>>, vector<16xf32>,
      %add3A_358 = arith.addf %get3A_355, %get3A_357 : vector<16xf32>
      %get3A_359 = arith.constant 144 : index
      %get3A_360 = tpu.vector_load %arg9[%get3A_359] {strides = array<i32>} : memref<384xf32, #tpu.memory_space<vmem>>, vector<16xf32>,
      %add3A_361 = arith.addf %add3A_358, %get3A_360 : vector<16xf32>
      %get3A_362 = arith.constant 272 : index
      %get3A_363 = tpu.vector_load %arg9[%get3A_362] {strides = array<i32>} : memref<384xf32, #tpu.memory_space<vmem>>, vector<16xf32>,
      %add3A_364 = arith.addf %add3A_361, %get3A_363 : vector<16xf32>
      %add3A_365 = vector.broadcast %squeeze3A : f32 to vector<16xf32>
      %add3A_366 = arith.addf %add3A_364, %add3A_365 : vector<16xf32>
      %swap3A_367 = arith.constant 16 : index
      %swap3A_368 = tpu.vector_load %arg8[%swap3A_367] {strides = array<i32>} : memref<128xf32, #tpu.memory_space<vmem>>, vector<16xf32>,
      tpu.vector_store %arg8[%swap3A_367], %add3A_366 {strides = array<i32>} : memref<128xf32, #tpu.memory_space<vmem>>, vector<16xf32>,
      %get3A_369 = arith.constant 32 : index
      %get3A_370 = tpu.vector_load %arg8[%get3A_369] {strides = array<i32>} : memref<128xf32, #tpu.memory_space<vmem>>, vector<16xf32>,
      %get3A_371 = arith.constant 32 : index
      %get3A_372 = tpu.vector_load %arg9[%get3A_371] {strides = array<i32>} : memref<384xf32, #tpu.memory_space<vmem>>, vector<16xf32>,
      %add3A_373 = arith.addf %get3A_370, %get3A_372 : vector<16xf32>
      %get3A_374 = arith.constant 160 : index
      %get3A_375 = tpu.vector_load %arg9[%get3A_374] {strides = array<i32>} : memref<384xf32, #tpu.memory_space<vmem>>, vector<16xf32>,
      %add3A_376 = arith.addf %add3A_373, %get3A_375 : vector<16xf32>
      %get3A_377 = arith.constant 288 : index
      %get3A_378 = tpu.vector_load %arg9[%get3A_377] {strides = array<i32>} : memref<384xf32, #tpu.memory_space<vmem>>, vector<16xf32>,
      %add3A_379 = arith.addf %add3A_376, %get3A_378 : vector<16xf32>
      %add3A_380 = vector.broadcast %squeeze3A : f32 to vector<16xf32>
      %add3A_381 = arith.addf %add3A_379, %add3A_380 : vector<16xf32>
      %swap3A_382 = arith.constant 32 : index
      %swap3A_383 = tpu.vector_load %arg8[%swap3A_382] {strides = array<i32>} : memref<128xf32, #tpu.memory_space<vmem>>, vector<16xf32>,
      tpu.vector_store %arg8[%swap3A_382], %add3A_381 {strides = array<i32>} : memref<128xf32, #tpu.memory_space<vmem>>, vector<16xf32>,
      %get3A_384 = arith.constant 48 : index
      %get3A_385 = tpu.vector_load %arg8[%get3A_384] {strides = array<i32>} : memref<128xf32, #tpu.memory_space<vmem>>, vector<16xf32>,
      %get3A_386 = arith.constant 48 : index
      %get3A_387 = tpu.vector_load %arg9[%get3A_386] {strides = array<i32>} : memref<384xf32, #tpu.memory_space<vmem>>, vector<16xf32>,
      %add3A_388 = arith.addf %get3A_385, %get3A_387 : vector<16xf32>
      %get3A_389 = arith.constant 176 : index
      %get3A_390 = tpu.vector_load %arg9[%get3A_389] {strides = array<i32>} : memref<384xf32, #tpu.memory_space<vmem>>, vector<16xf32>,
      %add3A_391 = arith.addf %add3A_388, %get3A_390 : vector<16xf32>
      %get3A_392 = arith.constant 304 : index
      %get3A_393 = tpu.vector_load %arg9[%get3A_392] {strides = array<i32>} : memref<384xf32, #tpu.memory_space<vmem>>, vector<16xf32>,
      %add3A_394 = arith.addf %add3A_391, %get3A_393 : vector<16xf32>
      %add3A_395 = vector.broadcast %squeeze3A : f32 to vector<16xf32>
      %add3A_396 = arith.addf %add3A_394, %add3A_395 : vector<16xf32>
      %swap3A_397 = arith.constant 48 : index
      %swap3A_398 = tpu.vector_load %arg8[%swap3A_397] {strides = array<i32>} : memref<128xf32, #tpu.memory_space<vmem>>, vector<16xf32>,
      tpu.vector_store %arg8[%swap3A_397], %add3A_396 {strides = array<i32>} : memref<128xf32, #tpu.memory_space<vmem>>, vector<16xf32>,
      %get3A_399 = arith.constant 64 : index
      %get3A_400 = tpu.vector_load %arg8[%get3A_399] {strides = array<i32>} : memref<128xf32, #tpu.memory_space<vmem>>, vector<16xf32>,
      %get3A_401 = arith.constant 64 : index
      %get3A_402 = tpu.vector_load %arg9[%get3A_401] {strides = array<i32>} : memref<384xf32, #tpu.memory_space<vmem>>, vector<16xf32>,
      %add3A_403 = arith.addf %get3A_400, %get3A_402 : vector<16xf32>
      %get3A_404 = arith.constant 192 : index
      %get3A_405 = tpu.vector_load %arg9[%get3A_404] {strides = array<i32>} : memref<384xf32, #tpu.memory_space<vmem>>, vector<16xf32>,
      %add3A_406 = arith.addf %add3A_403, %get3A_405 : vector<16xf32>
      %get3A_407 = arith.constant 320 : index
      %get3A_408 = tpu.vector_load %arg9[%get3A_407] {strides = array<i32>} : memref<384xf32, #tpu.memory_space<vmem>>, vector<16xf32>,
      %add3A_409 = arith.addf %add3A_406, %get3A_408 : vector<16xf32>
      %add3A_410 = vector.broadcast %squeeze3A : f32 to vector<16xf32>
      %add3A_411 = arith.addf %add3A_409, %add3A_410 : vector<16xf32>
      %swap3A_412 = arith.constant 64 : index
      %swap3A_413 = tpu.vector_load %arg8[%swap3A_412] {strides = array<i32>} : memref<128xf32, #tpu.memory_space<vmem>>, vector<16xf32>,
      tpu.vector_store %arg8[%swap3A_412], %add3A_411 {strides = array<i32>} : memref<128xf32, #tpu.memory_space<vmem>>, vector<16xf32>,
      %get3A_414 = arith.constant 80 : index
      %get3A_415 = tpu.vector_load %arg8[%get3A_414] {strides = array<i32>} : memref<128xf32, #tpu.memory_space<vmem>>, vector<16xf32>,
      %get3A_416 = arith.constant 80 : index
      %get3A_417 = tpu.vector_load %arg9[%get3A_416] {strides = array<i32>} : memref<384xf32, #tpu.memory_space<vmem>>, vector<16xf32>,
      %add3A_418 = arith.addf %get3A_415, %get3A_417 : vector<16xf32>
      %get3A_419 = arith.constant 208 : index
      %get3A_420 = tpu.vector_load %arg9[%get3A_419] {strides = array<i32>} : memref<384xf32, #tpu.memory_space<vmem>>, vector<16xf32>,
      %add3A_421 = arith.addf %add3A_418, %get3A_420 : vector<16xf32>
      %get3A_422 = arith.constant 336 : index
      %get3A_423 = tpu.vector_load %arg9[%get3A_422] {strides = array<i32>} : memref<384xf32, #tpu.memory_space<vmem>>, vector<16xf32>,
      %add3A_424 = arith.addf %add3A_421, %get3A_423 : vector<16xf32>
      %add3A_425 = vector.broadcast %squeeze3A : f32 to vector<16xf32>
      %add3A_426 = arith.addf %add3A_424, %add3A_425 : vector<16xf32>
      %swap3A_427 = arith.constant 80 : index
      %swap3A_428 = tpu.vector_load %arg8[%swap3A_427] {strides = array<i32>} : memref<128xf32, #tpu.memory_space<vmem>>, vector<16xf32>,
      tpu.vector_store %arg8[%swap3A_427], %add3A_426 {strides = array<i32>} : memref<128xf32, #tpu.memory_space<vmem>>, vector<16xf32>,
      %get3A_429 = arith.constant 96 : index
      %get3A_430 = tpu.vector_load %arg8[%get3A_429] {strides = array<i32>} : memref<128xf32, #tpu.memory_space<vmem>>, vector<16xf32>,
      %get3A_431 = arith.constant 96 : index
      %get3A_432 = tpu.vector_load %arg9[%get3A_431] {strides = array<i32>} : memref<384xf32, #tpu.memory_space<vmem>>, vector<16xf32>,
      %add3A_433 = arith.addf %get3A_430, %get3A_432 : vector<16xf32>
      %get3A_434 = arith.constant 224 : index
      %get3A_435 = tpu.vector_load %arg9[%get3A_434] {strides = array<i32>} : memref<384xf32, #tpu.memory_space<vmem>>, vector<16xf32>,
      %add3A_436 = arith.addf %add3A_433, %get3A_435 : vector<16xf32>
      %get3A_437 = arith.constant 352 : index
      %get3A_438 = tpu.vector_load %arg9[%get3A_437] {strides = array<i32>} : memref<384xf32, #tpu.memory_space<vmem>>, vector<16xf32>,
      %add3A_439 = arith.addf %add3A_436, %get3A_438 : vector<16xf32>
      %add3A_440 = vector.broadcast %squeeze3A : f32 to vector<16xf32>
      %add3A_441 = arith.addf %add3A_439, %add3A_440 : vector<16xf32>
      %swap3A_442 = arith.constant 96 : index
      %swap3A_443 = tpu.vector_load %arg8[%swap3A_442] {strides = array<i32>} : memref<128xf32, #tpu.memory_space<vmem>>, vector<16xf32>,
      tpu.vector_store %arg8[%swap3A_442], %add3A_441 {strides = array<i32>} : memref<128xf32, #tpu.memory_space<vmem>>, vector<16xf32>,
      %get3A_444 = arith.constant 112 : index
      %get3A_445 = tpu.vector_load %arg8[%get3A_444] {strides = array<i32>} : memref<128xf32, #tpu.memory_space<vmem>>, vector<16xf32>,
      %get3A_446 = arith.constant 112 : index
      %get3A_447 = tpu.vector_load %arg9[%get3A_446] {strides = array<i32>} : memref<384xf32, #tpu.memory_space<vmem>>, vector<16xf32>,
      %add3A_448 = arith.addf %get3A_445, %get3A_447 : vector<16xf32>
      %get3A_449 = arith.constant 240 : index
      %get3A_450 = tpu.vector_load %arg9[%get3A_449] {strides = array<i32>} : memref<384xf32, #tpu.memory_space<vmem>>, vector<16xf32>,
      %add3A_451 = arith.addf %add3A_448, %get3A_450 : vector<16xf32>
      %get3A_452 = arith.constant 368 : index
      %get3A_453 = tpu.vector_load %arg9[%get3A_452] {strides = array<i32>} : memref<384xf32, #tpu.memory_space<vmem>>, vector<16xf32>,
      %add3A_454 = arith.addf %add3A_451, %get3A_453 : vector<16xf32>
      %add3A_455 = vector.broadcast %squeeze3A : f32 to vector<16xf32>
      %add3A_456 = arith.addf %add3A_454, %add3A_455 : vector<16xf32>
      %swap3A_457 = arith.constant 112 : index
      %swap3A_458 = tpu.vector_load %arg8[%swap3A_457] {strides = array<i32>} : memref<128xf32, #tpu.memory_space<vmem>>, vector<16xf32>,
      tpu.vector_store %arg8[%swap3A_457], %add3A_456 {strides = array<i32>} : memref<128xf32, #tpu.memory_space<vmem>>, vector<16xf32>,
      %mul3A_459 = arith.constant 128 : i32
      %mul3A_460 = arith.muli %add3A_70, %mul3A_459 : i32
      "tpu.region"() ({
        %run_scoped3A = tpu.sem_alloc : memref<!tpu.dma_semaphore, #tpu.memory_space<semaphore_mem>>
        %dma_start3A_461 = tpu.memref_slice %arg5[%mul3A_460] : memref<1024xf32, #tpu.memory_space<hbm>> -> memref<128xf32, #tpu.memory_space<hbm>>
        %dma_start3A_462 = tpu.memref_slice %arg5[%mul3A_460] : memref<1024xf32, #tpu.memory_space<hbm>> -> memref<128xf32, #tpu.memory_space<hbm>>
        tpu.enqueue_dma source(%arg8 : memref<128xf32, #tpu.memory_space<vmem>>) target(%dma_start3A_462 : memref<128xf32, #tpu.memory_space<hbm>>) target_semaphore(%run_scoped3A : memref<!tpu.dma_semaphore, #tpu.memory_space<semaphore_mem>>)
        %dma_wait3A_463 = tpu.memref_slice %arg5[%mul3A_460] : memref<1024xf32, #tpu.memory_space<hbm>> -> memref<128xf32, #tpu.memory_space<hbm>>
        %dma_wait3A_464 = tpu.memref_slice %arg5[%mul3A_460] : memref<1024xf32, #tpu.memory_space<hbm>> -> memref<128xf32, #tpu.memory_space<hbm>>
        tpu.wait_dma2 semaphore(%run_scoped3A : memref<!tpu.dma_semaphore, #tpu.memory_space<semaphore_mem>>) src(%arg8 : memref<128xf32, #tpu.memory_space<vmem>>) dst(%dma_wait3A_464 : memref<128xf32, #tpu.memory_space<hbm>>)
        tpu.yield
      }) : () -> ()
    } else {
    }
    return
  }
}

</mosaic_0001>

<sc_bundles>
// kernel: kernel.3.cloned.1.call-start
scs
__scs_entry_jumppad:
0x0: {  	(pc) =	sbr.rel $0x88, $3  }
0x1: {  	(tag) =	ssettag $0x0;
	lr =	simm.s32 $0x1  }
0x2: {  	[smem:$0x3F9E] =	sst lr;
	_ =	strace $0xD0000000  }
0x3: {  	_ = 	snop  }
0x4: {  	_ = 	snop  }
0x5: {  	_ = 	snop  }
0x6: {  	_ = 	snop  }
0x7: {  	_ = 	snop  }
__scs_overlays_trampoline_lowered:
0x8: {  	[smem:$0x3FAD] =	sst s0  }
0x9: {  	[smem:$0x3FAE] =	sst s1  }
0xa: {  	[smem:$0x3FAF] =	sst s2  }
0xb: {  	[smem:$0x3FB0] =	sst s3  }
0xc: {  	[smem:$0x3FB1] =	sst s4  }
0xd: {  	[smem:$0x3FB2] =	sst s5  }
0xe: {  	[smem:$0x3FB3] =	sst s6  }
0xf: {  	[smem:$0x3FB4] =	sst s7  }
0x10: {  	[smem:$0x3FB5] =	sst s8  }
0x11: {  	[smem:$0x3FB6] =	sst s9;
	s0 =	simm.s32 @!p0 $0x0  }
0x12: {  	s1 =	sld [smem:$0x3F9C];
	s0 =	simm.s32 @p0 $0x1  }
0x13: {  	[smem:$0x3FB7] =	sst s0;
	s0 =	simm.s32 @!p1 $0x0  }
0x14: {  	s2 =	sld [smem:$0x3F9B];
	s0 =	simm.s32 @p1 $0x1  }
0x15: {  	[smem:$0x3FB8] =	sst s0;
	s0 =	simm.s32 @!p2 $0x0  }
0x16: {  	s3 =	sld [smem:$0x3FDB];
	s0 =	simm.s32 @p2 $0x1  }
0x17: {  	s4 =	simm.s32 $0x1BF5;
	[smem:$0x3FBA] =	sst s0  }
0x18: {  	s0 =	sld [smem:$0x3F9D];
	_ =	swait.ge [sflag:s4], $0x0  }
0x19: {  	s7 =	sld [smem:$0x3F9E]  }
0x1a: {  	s8 =	sadd.s32 $0xFFFFE003, lr  }
0x1b: {  	s9 =	sadd.s32 $0xFFFFFEF7, lr;
	s5 =	simm.s32 $0xFFFFFFFF;
	p2 =	slt.u32 s8, $0xFFFFF086  }
0x1c: {  	p1 =	slt.u32 s9, $0xF7A;
	s5 =	simm.s32 @!p2 $0x0  }
0x1d: {  	s5 =	simm.s32 @p1 $0x1;
	p0 =	seq.s32 s7, s2  }
0x1e: {  	s7 =	smul.u32 @!p0 $0xF7A, s2;
	p2 =	seq.s32 @!p0 s5, $0x0  }
0x1f: {  	s9 =	smul.u32 $0xF7A, s1;
	s8 =	simm.s32 @!p0 $0x1BF5;
	p2 =	por !p2, p0  }
0x20: {  	[sflag:s8] =	ssyncset.s32 @!p0 $0xFFFFF086;
	s6 =	sadd.s32 @!p0 s3, s7;
	s7 =	simm.s32 @!p0 $0x108  }
0x21: {  	s3 =	sadd.s32 s3, s9;
	s6 =	sadd.s32 @!p0 $0x88, s6;
	s7 =	simm.s32 @p2 $0x1082  }
0x22: {  	[simem:s7], [sflag:s8] =	dma.local @!p0 [hbm:s6], $0xF7A  }
0x23: {  	s9 =	sor.u32 $0xD0000000, s2;
	s6 =	simm.s32 $0x108;
	_ =	swait.ge @!p0 [sflag:s8], $0x0  }
0x24: {  	s3 =	sadd.s32 $0x88, s3;
	s6 =	simm.s32 @!p1 $0x1082;
	[sflag:s4] =	ssyncset.s32 $0xFFFFF086  }
0x25: {  	[simem:s6], [sflag:s4] =	dma.local [hbm:s3], $0xF7A  }
0x26: {  	[smem:$0x3F9E] =	sst s1;
	(tag) =	ssettag s2;
	_ =	strace s9  }
0x27: {  	s1 =	sld [smem:$0x3FAE]  }
0x28: {  	s2 =	sld [smem:$0x3FAF]  }
0x29: {  	s4 =	sld [smem:$0x3FB1]  }
0x2a: {  	p0 =	seq.s32 s5, $0x0;
	s5 =	sld [smem:$0x3FB2]  }
0x2b: {  	s6 =	sld [smem:$0x3FB3]  }
0x2c: {  	s7 =	sld [smem:$0x3FB4]  }
0x2d: {  	s3 =	simm.s32 $0x108;
	s8 =	sld [smem:$0x3FB5]  }
0x2e: {  	s3 =	simm.s32 @!p0 $0x1082;
	s9 =	sld [smem:$0x3FB6]  }
0x2f: {  	lr =	sadd.s32 s0, s3;
	s0 =	sld [smem:$0x3FAD]  }
0x30: {  	s3 =	sld [smem:$0x3FB0]  }
0x31: {  	[smem:$0x3FB9] =	sst s10  }
0x32: {  	s10 =	sld [smem:$0x3FB7];
	_ =	sdelay $0x3  }
0x33: {  	p0 =	seq.s32 s10, $0x1;
	s10 =	sld [smem:$0x3FB9];
	_ =	sdelay $0x3  }
0x34: {  	[smem:$0x3FB9] =	sst s10  }
0x35: {  	s10 =	sld [smem:$0x3FB8];
	_ =	sdelay $0x3  }
0x36: {  	p1 =	seq.s32 s10, $0x1;
	s10 =	sld [smem:$0x3FB9];
	_ =	sdelay $0x3  }
0x37: {  	[smem:$0x3FB9] =	sst s10  }
0x38: {  	s10 =	sld [smem:$0x3FBA]  }
0x39: {  	_ = 	snop;
	(pc) =	sbr.ind lr, $3  }
0x3a: {  	_ = 	snop  }
0x3b: {  	_ = 	snop  }
0x3c: {  	p2 =	seq.s32 s10, $0x1;
	s10 =	sld [smem:$0x3FB9]  }
0x3d: {  	_ =	shalt  }
0x3e: {  	_ =	shalt  }
0x3f: {  	_ =	shalt  }
0x40: {  	_ =	shalt  }
0x41: {  	_ =	shalt  }
0x42: {  	_ =	shalt  }
0x43: {  	_ =	shalt  }
0x44: {  	_ =	shalt  }
0x45: {  	_ =	shalt  }
0x46: {  	_ =	shalt  }
0x47: {  	_ =	shalt  }
0x48: {  	_ =	shalt  }
0x49: {  	_ =	shalt  }
0x4a: {  	_ =	shalt  }
0x4b: {  	_ =	shalt  }
0x4c: {  	_ =	shalt  }
0x4d: {  	_ =	shalt  }
0x4e: {  	_ =	shalt  }
0x4f: {  	_ =	shalt  }
0x50: {  	_ =	shalt  }
0x51: {  	_ =	shalt  }
0x52: {  	_ =	shalt  }
0x53: {  	_ =	shalt  }
0x54: {  	_ =	shalt  }
0x55: {  	_ =	shalt  }
0x56: {  	_ =	shalt  }
0x57: {  	_ =	shalt  }
0x58: {  	_ =	shalt  }
0x59: {  	_ =	shalt  }
0x5a: {  	_ =	shalt  }
0x5b: {  	_ =	shalt  }
0x5c: {  	_ =	shalt  }
0x5d: {  	_ =	shalt  }
0x5e: {  	_ =	shalt  }
0x5f: {  	_ =	shalt  }
0x60: {  	_ =	shalt  }
0x61: {  	_ =	shalt  }
0x62: {  	_ =	shalt  }
0x63: {  	_ =	shalt  }
0x64: {  	_ =	shalt  }
0x65: {  	_ =	shalt  }
0x66: {  	_ =	shalt  }
0x67: {  	_ =	shalt  }
0x68: {  	_ =	shalt  }
0x69: {  	_ =	shalt  }
0x6a: {  	_ =	shalt  }
0x6b: {  	_ =	shalt  }
0x6c: {  	_ =	shalt  }
0x6d: {  	_ =	shalt  }
0x6e: {  	_ =	shalt  }
0x6f: {  	_ =	shalt  }
0x70: {  	_ =	shalt  }
0x71: {  	_ =	shalt  }
0x72: {  	_ =	shalt  }
0x73: {  	_ =	shalt  }
0x74: {  	_ =	shalt  }
0x75: {  	_ =	shalt  }
0x76: {  	_ =	shalt  }
0x77: {  	_ =	shalt  }
0x78: {  	_ =	shalt  }
0x79: {  	_ =	shalt  }
0x7a: {  	_ =	shalt  }
0x7b: {  	_ =	shalt  }
0x7c: {  	_ =	shalt  }
0x7d: {  	_ =	shalt  }
0x7e: {  	_ =	shalt  }
0x7f: {  	_ =	shalt  }
0x80: {  	_ =	shalt  }
0x81: {  	_ =	shalt  }
0x82: {  	_ =	shalt  }
0x83: {  	_ =	shalt  }
0x84: {  	_ =	shalt  }
0x85: {  	_ =	shalt  }
0x86: {  	_ =	shalt  }
0x87: {  	_ =	shalt  }
.Lfunc_end0:
.L_simem_size_0:
called_computation_lowered:
.L_overlay_start_0:
0x88: {  	s2 =	sld [smem:$0x3FD9]  }
0x89: {  	s3 =	sld [smem:$0x3FFE];
	_ =	sdelay $0x1  }
0x8a: {  	s1 =	srdreg.scid  }
0x8b: {  	s0 =	sand.u32 $0x1, s1  }
0x8c: {  	s18 =	sshll.u32 s0, $0xA;
	s2 =	sadd.s32 s3, s2  }
0x8d: {  	s2 =	sadd.s32 s2, s18  }
0x8e: {  	[smem:$0x3FC5] =	sst s2  }
0x8f: {  	_ = 	snop  }
0x90: {  	s2 =	sld [smem:$0x3FC9]  }
0x91: {  	s19 =	sld [smem:$0x3FC8]  }
0x92: {  	s4 =	sld [smem:$0x3FC7]  }
0x93: {  	s5 =	sld [smem:$0x3FD0];
	(tm) =	ssettm $0x1  }
0x94: {  	s6 =	sld [smem:$0x3FFB];
	_ =	sdelay $0x3  }
0x95: {  	_ =	strace s6  }
0x96: {  	s6 =	sld [smem:$0x3FFC];
	_ =	sdelay $0x3  }
0x97: {  	_ =	strace s6  }
0x98: {  	s6 =	sld [smem:$0x3FFD];
	_ =	sdelay $0x3  }
0x99: {  	_ =	strace s6  }
0x9a: {  	_ =	strace $0x8FFFFFFF  }
0x9b: {  	s20 =	sld [smem:$0x3FDB];
	_ =	sdelay $0x1  }
0x9c: {  	s7 =	simm.s32 $_scs_section_size  }
0x9d: {  	s8 =	simm.s32 $_size__tile_overlayer_lowered;
	s9 =	simm.s32 $_tile_overlayer_lowered  }
0x9e: {  	s23 =	simm.s32 $0x1BFF;
	s22 =	sshll.u32 s9, $0x1;
	s6 =	sadd.s32 s7, s20  }
0x9f: {  	s10 =	simm.s32 $0x0;
	s21 =	sshll.u32 s8, $0x1;
	s8 =	sadd.s32 s22, s6  }
0xa0: {  	[timem:s10], [sflag:s23] =	dma.local [hbm:s8], s21  }
0xa1: {  	_ =	swait.ge [sflag:s23], s21  }
0xa2: {  	s7 =	ssub.s32 $0x0, s21;
	[sflag:s23] =	ssyncset.done $0x0  }
0xa3: {  	[sflag:s23] =	ssyncadd.s32 s7;
	_ =	sdelay $0x1  }
0xa4: {  	s24 =	simm.s32 $0x1B8B  }
0xa5: {  	_ =	swait.ge [sflag:s24], $0x1  }
0xa6: {  	[sflag:s24] =	ssyncset.done $0x0  }
0xa7: {  	s25 =	simm.s32 $0x1B8E;
	[sflag:s24] =	ssyncadd.s32 $0xFFFFFFFF  }
0xa8: {  	s26 =	simm.s32 $execute0_lowered;
	[smem:$0x3FD2] =	sst s25  }
0xa9: {  	s7 =	sshll.u32 s26, $0x1;
	_ =	strace $0x80000046;
	[dreg:$0x1] =	wrdreg $0xFFFFFFFF  }
0xaa: {  	s28 =	simm.s32 $_size_execute0_lowered;
	s6 =	sadd.s32 s6, s7;
	[dreg:$0x0] =	wrdreg $0x0  }
0xab: {  	s7 =	sshll.u32 s28, $0x1;
	[dreg:$0x2] =	wrdreg s6  }
0xac: {  	[dreg:$0x3] =	wrdreg s7  }
0xad: {  	[dreg:$0x4] =	wrdreg $0xC0  }
0xae: {  	_ =	task [dreg:s10], $0x5FFFF  }
0xaf: {  	[dreg:$0x1] =	wrdreg $0xFFFFFFFF  }
0xb0: {  	[dreg:$0x0] =	wrdreg $0x60  }
0xb1: {  	[dreg:$0x2] =	wrdreg s2  }
0xb2: {  	[dreg:$0x3] =	wrdreg s19  }
0xb3: {  	[dreg:$0x4] =	wrdreg s4  }
0xb4: {  	[dreg:$0x5] =	wrdreg s5  }
0xb5: {  	[dreg:$0x6] =	wrdreg $0xFA800  }
0xb6: {  	[dreg:$0x7] =	wrdreg $0x9  }
0xb7: {  	_ =	task.clear_ibuf [dreg:s10], $0x8FFFF;
	_ =	strace $0x90000046  }
0xb8: {  	s29 =	simm.s32 $0x9;
	_ =	strace $0x80000048  }
0xb9: {  	_ =	swait.ge [sflag:s29], $0x1  }
0xba: {  	[sflag:s29] =	ssyncadd.s32 $0xFFFFFFFF  }
0xbb: {  	_ =	strace $0x90000048  }
0xbc: {  	_ =	sfence  }
0xbd: {  	s30 =	sld [smem:$0x0];
	_ =	sdelay $0x2  }
0xbe: {  	s31 =	sshll.u32 s1, $0xD;
	s1 =	sshrl.u32 s1, $0x2  }
0xbf: {  	s3 =	sand.u32 $0x4000, s31;
	s1 =	sadd.s32 s1, s30  }
0xc0: {  	s0 =	sor.u32 s3, s0;
	s1 =	sshll.u32 s1, $0x11  }
0xc1: {  	s0 =	sor.u32 s1, s0  }
0xc2: {  	s0 =	sadd.s32 $0x8F2B, s0  }
0xc3: {  	[sflag:s0] =	ssyncadd.remote.s32 $0x1  }
0xc4: {  	_ =	sfence.sel $0xFFFF  }
0xc5: {  	[dreg:$0x0] =	wrdreg $0xFFFFFFFF;
	(pc) =	sbr.abs _section_cstart, $3  }
0xc6: {  	[dreg:$0x1] =	wrdreg $0xFFFFFFFF  }
0xc7: {  	_ =	task.clear_ibuf [dreg:s10], $0x2FFFF;
	_ =	strace $0x9FFFFFFF  }
0xc8: {  	(tm) =	ssettm $0x7FFFFFFF  }
0xc9: {  	_ =	shalt  }
tec
execute0_lowered:
.L_overlay_start_1:
0x0: {  	(tag) =	ssettag $0x1  }
0x1: {  	s0 =	srdreg.scid;
	s17 =	rddreg [dreg:$0x0]  }
0x2: {  	s18 =	rddreg [dreg:$0x1];
	s14 =	stileid.u32  }
0x3: {  	s1 =	simm.s32 $0x0;
	s30 =	simm.s32 $0xC400;
	s31 =	simm.s32 $0xFA00  }
0x4: {  	s12 =	sand.u32 $0x1, s0;
	s7 =	smul.u32 $0x25, s14;
	[smem:$0x7FF] =	sst s1  }
0x5: {  	s20 =	sshrl.u32 s14, $0x2;
	s19 =	sand.u32 $0x3, s14;
	s21 =	sand.u32 $0x1, s14  }
0x6: {  	s0 =	ssub.s32 $0x2, s12;
	s16 =	smul.u32 $0xC300, s21;
	s12 =	sshll.u32 s12, $0x2  }
0x7: {  	p0 =	sne.s32 s19, $0x0;
	s2 =	sshrl.u32 s0, $0x1;
	s22 =	sshrl.u32 s7, $0x8  }
0x8: {  	s3 =	sadd.s32 $0x25, s7;
	s4 =	sadd.s32 $0x4A, s7;
	s6 =	sadd.s32 $0x6F, s7  }
0x9: {  	s0 =	ssub.s32 s0, s2;
	s2 =	smul.u32 $0x7, s22;
	s3 =	sshrl.u32 s3, $0x8  }
0xa: {  	s23 =	sadd.s32 $0x94, s7;
	s4 =	sshrl.u32 s4, $0x8;
	s3 =	smul.u32 $0x7, s3  }
0xb: {  	s11 =	sadd.s32 $0xB9, s7;
	s6 =	sshrl.u32 s6, $0x8;
	s4 =	smul.u32 $0x7, s4  }
0xc: {  	s7 =	sadd.s32 $0xDE, s7;
	s11 =	sshrl.u32 s11, $0x8;
	s10 =	smul.u32 $0x7, s6  }
0xd: {  	s22 =	sshrl.u32 s19, $0x1;
	s7 =	sshrl.u32 s7, $0x8;
	s11 =	smul.u32 $0x7, s11  }
0xe: {  	s19 =	sshll.u32 s19, $0x7;
	s13 =	smul.u32 $0x7, s7;
	s2 =	ssub.s32 s14, s2  }
0xf: {  	s28 =	smul.u32 $0x18000, s22;
	p1 =	sne.s32 s22, $0x0;
	s2 =	sand.u32 $0xFF, s2  }
0x10: {  	s3 =	ssub.s32 s14, s3;
	s4 =	ssub.s32 s14, s4;
	s10 =	ssub.s32 s14, s10  }
0x11: {  	s24 =	ssub.s32 s14, s11;
	s25 =	ssub.s32 s14, s13;
	s3 =	sadd.s32 $0x1, s3  }
0x12: {  	s2 =	smul.u32 $0x1880, s2;
	s4 =	sadd.s32 $0x2, s4;
	s3 =	sand.u32 $0xFF, s3  }
0x13: {  	s10 =	sadd.s32 $0x3, s10;
	s4 =	sand.u32 $0xFF, s4;
	s3 =	smul.u32 $0x1880, s3  }
0x14: {  	s11 =	sadd.s32 $0x6, s25;
	s10 =	sand.u32 $0xFF, s10;
	s4 =	smul.u32 $0x1880, s4  }
0x15: {  	s11 =	sand.u32 $0xFF, s11;
	s5 =	sadd.s32 s2, s16;
	s7 =	smul.u32 $0x1880, s10  }
0x16: {  	s10 =	sadd.s32 $0x5, s24;
	s11 =	smul.u32 $0x1880, s11;
	s5 =	sshrl.u32 s5, $0x3  }
0x17: {  	s10 =	sand.u32 $0xFF, s10;
	s5 =	sadd.s32 s18, s5;
	s8 =	sadd.s32 s16, s3  }
0x18: {  	s9 =	sadd.s32 s16, s4;
	s10 =	smul.u32 $0x1880, s10;
	s26 =	sadd.s32 s16, s7  }
0x19: {  	s8 =	sshrl.u32 s8, $0x3;
	s9 =	sshrl.u32 s9, $0x3;
	s13 =	sshrl.u32 s26, $0x3  }
0x1a: {  	s6 =	sadd.s32 s18, s8;
	s8 =	sshrl.u32 s23, $0x8;
	s9 =	sadd.s32 s18, s9  }
0x1b: {  	s23 =	sor.u32 s20, s12;
	s12 =	sadd.s32 s18, s13;
	s8 =	smul.u32 $0x7, s8  }
0x1c: {  	s24 =	sadd.s32 s16, s10;
	s20 =	sshll.u32 s20, $0x9;
	s15 =	sshll.u32 s23, $0xA  }
0x1d: {  	s25 =	sor.u32 s15, s28;
	s15 =	sadd.s32 s16, s11;
	s8 =	ssub.s32 s14, s8  }
0x1e: {  	s24 =	sshrl.u32 s24, $0x3;
	s26 =	sshrl.u32 s15, $0x3;
	s8 =	sadd.s32 $0x4, s8  }
0x1f: {  	s14 =	sadd.s32 s18, s24;
	s28 =	sshrl.u32 s25, $0x3;
	s8 =	sand.u32 $0xFF, s8  }
0x20: {  	s25 =	rddreg [dreg:$0x3];
	s24 =	smax.u32 s0, $0x1;
	s8 =	smul.u32 $0x1880, s8  }
0x21: {  	s0 =	simm.s32 $0x1;
	s15 =	sadd.s32 s18, s26;
	s17 =	sadd.s32 s17, s28  }
0x22: {  	s28 =	rddreg [dreg:$0x4];
	s26 =	sshll.u32 s23, $0x4;
	s29 =	sadd.s32 s16, s8  }
0x23: {  	s23 =	simm.s32 $0x4;
	s13 =	sshrl.u32 s29, $0x3;
	s29 =	sshrl.u32 s16, $0x3  }
0x24: {  	v0 =	vmov s16;
	s16 =	simm.s32 $0x3;
	s13 =	sadd.s32 s18, s13;
	s18 =	sadd.s32 s18, s29  }
.Ltmp0:
0x25: {  	s29 =	sadd.s32 s20, s28;
	s20 =	sadd.s32 s25, s26;
	(pc) =	sbr.rel .LBB2_1-.Ltmp0, $4  }
0x26: {  	s28 =	smul.u32 $0xA0, s21;
	s25 =	simm.s32 $0x0;
	[dreg:$0x6] =	wrdreg s20  }
0x27: {  	s20 =	sadd.s32 $0x1570, s18;
	s21 =	sadd.s32 $0x1870, s18;
	s22 =	sadd.s32 s19, s29  }
0x28: {  	vm0 =	vmxor vm0, vm0;
	s29 =	sadd.s32 $0x80, s29;
	s18 =	simm.s32 $0x2;
	s26 =	sor.u32 $0xC300, s28  }
0x29: {  	vm0 =	vmneg @p1 vm0;
	s19 =	simm.s32 $0xF800;
	_ =	strace $0x80000047;
	[dreg:$0x7] =	wrdreg s29;
	v1 =	vmov s26  }
.LBB2_11:
0x2a: {  	s25 =	sadd.s32 $0x1, s25  }
0x2b: {  	p1 =	sne.s32 s25, s24  }
.Ltmp1:
0x2c: {  	_ = 	snop;
	(pc) =	sbr.rel @!p1 .LBB2_12-.Ltmp1, $1  }
0x2d: {  	_ =	sdelay $0x3  }
.LBB2_1:
0x2e: {  	[tilespmem:s2], [sflag:$0x1] =	stream.linear.gather [hbm4b:s5+s1], $0x1880, $0x38;
	[tilespmem:$0xFB00] =	vst v63  }
0x2f: {  	_ = 	snop  }
0x30: {  	[tilespmem:s3], [sflag:$0x1] =	stream.linear.gather [hbm4b:s6+s1], $0x1880, $0x38;
	[tilespmem:$0xFB00] =	vst v63  }
0x31: {  	_ = 	snop  }
0x32: {  	[tilespmem:s4], [sflag:$0x1] =	stream.linear.gather [hbm4b:s9+s1], $0x1880, $0x38;
	[tilespmem:$0xFB00] =	vst v63  }
0x33: {  	_ = 	snop  }
0x34: {  	[tilespmem:s7], [sflag:$0x1] =	stream.linear.gather [hbm4b:s12+s1], $0x1880, $0x38;
	[tilespmem:$0xFB00] =	vst v63  }
0x35: {  	_ = 	snop  }
0x36: {  	[tilespmem:s8], [sflag:$0x1] =	stream.linear.gather [hbm4b:s13+s1], $0x1880, $0x38;
	[tilespmem:$0xFB00] =	vst v63  }
0x37: {  	_ = 	snop  }
0x38: {  	[tilespmem:s10], [sflag:$0x1] =	stream.linear.gather [hbm4b:s14+s1], $0x1880, $0x38;
	[tilespmem:$0xFB00] =	vst v63  }
0x39: {  	_ = 	snop  }
0x3a: {  	[tilespmem:s11], [sflag:$0x1] =	stream.linear.gather [hbm4b:s15+s1], $0x1880, $0x38;
	[tilespmem:$0xFB00] =	vst v63  }
0x3b: {  	s26 =	simm.s32 $0xAB80  }
0x3c: {  	[tilespmem:s26], [sflag:$0x1] =	stream.linear.gather [hbm4b:s20+s1], $0x1800, $0x38;
	[tilespmem:$0xFB00] =	vst v63  }
0x3d: {  	s26 =	simm.s32 $0xC380  }
0x3e: {  	[tilespmem:s26], [sflag:$0x1] =	stream.linear.gather [hbm4b:s21+s1], $0x20, $0x38;
	[tilespmem:$0xFB00] =	vst v63  }
0x3f: {  	s28 =	simm.s32 $0x2000;
	s26 =	simm.s32 $0x400  }
0x40: {  	[tilespmem:s30], [sflag:$0x2] =	stream.strided.gather [hbm4b:s17+s26], $0x3400, s28, s26, $0x38;
	[tilespmem:$0xFB00] =	vst v63  }
0x41: {  	s26 =	rddreg [dreg:$0x2]  }
0x42: {  	[tilespmem:s31], [sflag:$0x3] =	stream.linear.gather [hbm4b:s26+s1], $0x1, $0x38;
	[tilespmem:$0xFB00] =	vst v63  }
0x43: {  	_ =	swait.ge [sflag:s18], $0x3400  }
0x44: {  	[sflag:s18] =	ssyncset.done $0x0  }
0x45: {  	[sflag:s18] =	ssyncadd.s32 $0xFFFFCC00  }
0x46: {  	_ =	swait.ge [sflag:s0], $0x1880  }
0x47: {  	[sflag:s0] =	ssyncset.done $0x0  }
0x48: {  	[sflag:s0] =	ssyncadd.s32 $0xFFFFE780  }
0x49: {  	_ =	swait.ge [sflag:s0], $0x1880  }
0x4a: {  	[sflag:s0] =	ssyncset.done $0x0  }
0x4b: {  	[sflag:s0] =	ssyncadd.s32 $0xFFFFE780  }
0x4c: {  	_ =	swait.ge [sflag:s0], $0x1880  }
0x4d: {  	[sflag:s0] =	ssyncset.done $0x0  }
0x4e: {  	[sflag:s0] =	ssyncadd.s32 $0xFFFFE780  }
0x4f: {  	_ =	swait.ge [sflag:s0], $0x1880  }
0x50: {  	[sflag:s0] =	ssyncset.done $0x0  }
0x51: {  	[sflag:s0] =	ssyncadd.s32 $0xFFFFE780  }
0x52: {  	_ =	swait.ge [sflag:s0], $0x1880  }
0x53: {  	[sflag:s0] =	ssyncset.done $0x0  }
0x54: {  	[sflag:s0] =	ssyncadd.s32 $0xFFFFE780  }
0x55: {  	_ =	swait.ge [sflag:s0], $0x1880  }
0x56: {  	[sflag:s0] =	ssyncset.done $0x0  }
0x57: {  	[sflag:s0] =	ssyncadd.s32 $0xFFFFE780  }
0x58: {  	_ =	swait.ge [sflag:s0], $0x1880  }
0x59: {  	[sflag:s0] =	ssyncset.done $0x0  }
0x5a: {  	[sflag:s0] =	ssyncadd.s32 $0xFFFFE780  }
0x5b: {  	_ =	swait.ge [sflag:s0], $0x1800  }
0x5c: {  	[sflag:s0] =	ssyncset.done $0x0  }
0x5d: {  	[sflag:s0] =	ssyncadd.s32 $0xFFFFE800  }
0x5e: {  	_ =	swait.ge [sflag:s0], $0x20  }
0x5f: {  	[sflag:s0] =	ssyncset.done $0x0  }
0x60: {  	s26 =	simm.s32 $0x0;
	[sflag:s0] =	ssyncadd.s32 $0xFFFFFFE0  }
0x61: {  	v2 =	vld [tilespmem:s26+$0xC470]  }
0x62: {  	v3 =	vld [tilespmem:s26+$0xC400]  }
0x63: {  	v4 =	vld [tilespmem:s26+$0xC410]  }
0x64: {  	v5 =	vld [tilespmem:s26+$0xC420]  }
0x65: {  	v6 =	vld [tilespmem:s26+$0xC430]  }
0x66: {  	v9 =	vld [tilespmem:s26+$0xC440];
	v7 =	vsub.s32 v2, v0  }
0x67: {  	v3 =	vsub.s32 v3, v0;
	v2 =	vmin.u32 v7, $0xC39F  }
0x68: {  	v4 =	vsub.s32 v4, v0;
	v8 =	vmin.u32 v3, $0xC39F  }
0x69: {  	v11 =	vld [tilespmem:s26+$0xC450];
	v5 =	vsub.s32 v5, v0;
	v10 =	vmin.u32 v4, $0xC39F  }
0x6a: {  	v13 =	vld [tilespmem:s26+$0xC460];
	s26 =	simm.s32 $0x80;
	v6 =	vsub.s32 v6, v0;
	v12 =	vmin.u32 v5, $0xC39F  }
0x6b: {  	v14 =	vmin.u32 v6, $0xC39F;
	vm5 =	vlt.u32 v4, v1;
	v4 =	vsub.s32 v9, v0;
	v9 =	vld [tilespmem:s26+$0xC470]  }
0x6c: {  	v15 =	vld.idx.msk [tilespmem:v2+s1+$0x0], $0xffff  }
0x6d: {  	v8 =	vld.idx.msk [tilespmem:v8+s1+$0x0], $0xffff  }
0x6e: {  	vm4 =	vlt.u32 v3, v1;
	v3 =	vld.idx.msk [tilespmem:v10+s1+$0x0], $0xffff  }
0x6f: {  	vm6 =	vlt.u32 v5, v1;
	vm7 =	vlt.u32 v6, v1;
	vm8 =	vlt.u32 v7, v1;
	v5 =	vld.idx.msk [tilespmem:v12+s1+$0x0], $0xffff  }
0x70: {  	vm1 =	vlt.u32 v4, v1;
	v10 =	vmin.u32 v4, $0xC39F;
	v4 =	vsub.s32 v11, v0;
	v11 =	vld.idx.msk [tilespmem:v14+s1+$0x0], $0xffff  }
0x71: {  	v14 =	vld [tilespmem:s26+$0xC410];
	vm2 =	vlt.u32 v4, v1;
	v12 =	vmin.u32 v4, $0xC39F;
	v4 =	vsub.s32 v13, v0  }
0x72: {  	v9 =	vsub.s32 v9, v0;
	vm3 =	vlt.u32 v4, v1;
	v13 =	vmin.u32 v4, $0xC39F;
	v4 =	vld [tilespmem:s26+$0xC400]  }
0x73: {  	v17 =	vld [tilespmem:s26+$0xC440];
	vm1 =	vmmov vm1;
	v2 =	vimm.f32 $0.0e+00;
	v20 =	vmin.u32 v9, $0xC39F  }
0x74: {  	vm2 =	vmmov vm2;
	v6 =	vnsel vm8, $0x0, v15;
	v8 =	vnsel vm4, $0x0, v8;
	v15 =	vld [tilespmem:s26+$0xC420]  }
0x75: {  	v3 =	vnsel vm5, $0x0, v3;
	v7 =	vadd.f32 v6, v2;
	v6 =	vadd.f32 v8, v2;
	v8 =	vld [tilespmem:s26+$0xC430]  }
0x76: {  	v19 =	vld [tilespmem:s26+$0xC450];
	v16 =	vnsel vm6, $0x0, v5;
	v11 =	vnsel vm7, $0x0, v11;
	v14 =	vsub.s32 v14, v0  }
0x77: {  	v21 =	vld [tilespmem:s26+$0xC460];
	v5 =	vadd.f32 v3, v2;
	v3 =	vadd.f32 v16, v2;
	v16 =	vsub.s32 v4, v0  }
0x78: {  	v22 =	vld.idx.msk [tilespmem:v10+s1+$0x0], $0xffff;
	v10 =	vsub.s32 v17, v0;
	v4 =	vadd.f32 v11, v2;
	v11 =	vmin.u32 v16, $0xC39F  }
0x79: {  	v23 =	vld.idx.msk [tilespmem:v12+s1+$0x0], $0xffff;
	vm7 =	vlt.u32 v16, v1;
	v16 =	vmin.u32 v14, $0xC39F;
	v15 =	vsub.s32 v15, v0  }
0x7a: {  	vm5 =	vlt.u32 v14, v1;
	v14 =	vmin.u32 v15, $0xC39F;
	v8 =	vsub.s32 v8, v0  }
0x7b: {  	vm3 =	vmmov vm3;
	vm9 =	vlt.u32 v10, v1;
	v18 =	vld.idx.msk [tilespmem:v13+s1+$0x0], $0xffff;
	v24 =	vmin.u32 v8, $0xC39F  }
0x7c: {  	v12 =	vsub.s32 v21, v0;
	vm6 =	vlt.u32 v8, v1;
	v8 =	vsub.s32 v19, v0;
	v19 =	vld.idx.msk [tilespmem:v20+s1+$0x0], $0xffff  }
0x7d: {  	v10 =	vmin.u32 v10, $0xC39F;
	vm8 =	vlt.u32 v12, v1;
	v12 =	vmin.u32 v12, $0xC39F;
	v17 =	vld.idx.msk [tilespmem:v11+s1+$0x0], $0xffff  }
0x7e: {  	v13 =	vimm.f32 $0.0e+00;
	vm4 =	vlt.u32 v15, v1;
	v20 =	vnsel vm2, $0x0, v23;
	v15 =	vld.idx.msk [tilespmem:v16+s1+$0x0], $0xffff  }
0x7f: {  	vm10 =	vlt.u32 v8, v1;
	v11 =	vmin.u32 v8, $0xC39F;
	v8 =	vnsel vm1, $0x0, v22;
	v14 =	vld.idx.msk [tilespmem:v14+s1+$0x0], $0xffff  }
0x80: {  	s29 =	simm.s32 $0x100;
	s28 =	simm.s32 $0x600;
	s26 =	simm.s32 $0x0;
	vm1 =	vmmov vm9;
	v8 =	vadd.f32 v8, v2;
	vm2 =	vmmov vm10;
	v16 =	vld.idx.msk [tilespmem:v24+s1+$0x0], $0xffff  }
.LBB2_2:
0x81: {  	p1 =	sne.s32 s28, $0xBE00;
	v21 =	vld [tilespmem:s29+$0xC470];
	vm9 =	vlt.u32 v9, v1;
	v2 =	vadd.f32 v20, v2;
	v9 =	vnsel vm3, $0x0, v18  }
0x82: {  	vm3 =	vmmov vm8;
	v18 =	vld [tilespmem:s29+$0xC400];
	v19 =	vnsel vm9, $0x0, v19;
	v13 =	vadd.f32 v9, v13  }
0x83: {  	v9 =	vnsel vm7, $0x0, v17;
	v20 =	vld [tilespmem:s29+$0xC410];
	v7 =	vadd.f32 v19, v7  }
0x84: {  	v6 =	vadd.f32 v9, v6;
	v9 =	vnsel vm5, $0x0, v15;
	v17 =	vld [tilespmem:s29+$0xC420]  }
0x85: {  	v5 =	vadd.f32 v9, v5;
	v14 =	vnsel vm4, $0x0, v14;
	v15 =	vld [tilespmem:s29+$0xC430]  }
0x86: {  	v3 =	vadd.f32 v14, v3;
	v14 =	vnsel vm6, $0x0, v16;
	v19 =	vld [tilespmem:s29+$0xC440];
	v9 =	vsub.s32 v21, v0  }
0x87: {  	v4 =	vadd.f32 v14, v4;
	v16 =	vsub.s32 v18, v0;
	v21 =	vld [tilespmem:s29+$0xC450];
	v22 =	vmin.u32 v9, $0xC39F  }
0x88: {  	vm7 =	vlt.u32 v16, v1;
	v14 =	vmin.u32 v16, $0xC39F;
	v16 =	vsub.s32 v20, v0;
	v20 =	vld [tilespmem:s29+$0xC460]  }
0x89: {  	vm5 =	vlt.u32 v16, v1;
	v16 =	vmin.u32 v16, $0xC39F;
	v17 =	vsub.s32 v17, v0;
	v23 =	vld.idx.msk [tilespmem:v10+s26+$0x0], $0xffff  }
0x8a: {  	vm4 =	vlt.u32 v17, v1;
	v24 =	vmin.u32 v17, $0xC39F;
	v10 =	vsub.s32 v15, v0;
	v25 =	vld.idx.msk [tilespmem:v11+s26+$0x0], $0xffff  }
0x8b: {  	vm6 =	vlt.u32 v10, v1;
	v26 =	vmin.u32 v10, $0xC39F;
	v10 =	vsub.s32 v19, v0;
	v18 =	vld.idx.msk [tilespmem:v12+s26+$0x0], $0xffff;
	s26 =	simm.s32 $0x0  }
.Ltmp2:
0x8c: {  	vm9 =	vlt.u32 v10, v1;
	v10 =	vmin.u32 v10, $0xC39F;
	v11 =	vsub.s32 v21, v0;
	v19 =	vld.idx.msk [tilespmem:v22+s26+$0x0], $0xffff;
	(pc) =	sbr.rel @p1 .LBB2_2-.Ltmp2, $4  }
0x8d: {  	v17 =	vld.idx.msk [tilespmem:v14+s26+$0x0], $0xffff;
	vm10 =	vlt.u32 v11, v1;
	v11 =	vmin.u32 v11, $0xC39F;
	v12 =	vsub.s32 v20, v0  }
0x8e: {  	v15 =	vld.idx.msk [tilespmem:v16+s26+$0x0], $0xffff;
	vm8 =	vlt.u32 v12, v1;
	v12 =	vmin.u32 v12, $0xC39F  }
0x8f: {  	v20 =	vnsel vm1, $0x0, v23;
	vm1 =	vmmov vm9;
	v14 =	vld.idx.msk [tilespmem:v24+s26+$0x0], $0xffff  }
0x90: {  	s29 =	sshra.s32 s28, $0x2;
	s28 =	sadd.s32 $0x200, s28;
	v8 =	vadd.f32 v20, v8;
	v20 =	vnsel vm2, $0x0, v25;
	vm2 =	vmmov vm10;
	v16 =	vld.idx.msk [tilespmem:v26+s26+$0x0], $0xffff  }
0x91: {  	v21 =	vld [tilespmem:s29+$0xC470]  }
0x92: {  	v22 =	vld [tilespmem:s29+$0xC400]  }
0x93: {  	v23 =	vld [tilespmem:s29+$0xC410]  }
0x94: {  	v24 =	vld [tilespmem:s29+$0xC420]  }
0x95: {  	vm9 =	vlt.u32 v9, v1;
	v9 =	vld [tilespmem:s29+$0xC430]  }
0x96: {  	v2 =	vadd.f32 v20, v2;
	v18 =	vnsel vm3, $0x0, v18;
	v20 =	vld [tilespmem:s29+$0xC440];
	v19 =	vnsel vm9, $0x0, v19  }
0x97: {  	v25 =	vld [tilespmem:s29+$0xC450];
	v13 =	vadd.f32 v18, v13;
	v17 =	vnsel vm7, $0x0, v17;
	v21 =	vsub.s32 v21, v0  }
0x98: {  	v27 =	vld [tilespmem:s29+$0xC460];
	v7 =	vadd.f32 v19, v7;
	v22 =	vsub.s32 v22, v0;
	v26 =	vmin.u32 v21, $0xC39F  }
0x99: {  	v10 =	vld.idx.msk [tilespmem:v10+s26+$0x0], $0xffff;
	v6 =	vadd.f32 v17, v6;
	v23 =	vsub.s32 v23, v0;
	v18 =	vmin.u32 v22, $0xC39F  }
0x9a: {  	v11 =	vld.idx.msk [tilespmem:v11+s26+$0x0], $0xffff;
	v15 =	vnsel vm5, $0x0, v15;
	v24 =	vsub.s32 v24, v0;
	v28 =	vmin.u32 v23, $0xC39F  }
0x9b: {  	v12 =	vld.idx.msk [tilespmem:v12+s26+$0x0], $0xffff;
	s29 =	simm.s32 $0x0;
	v9 =	vsub.s32 v9, v0;
	v20 =	vsub.s32 v20, v0;
	v19 =	vmin.u32 v24, $0xC39F  }
0x9c: {  	v17 =	vmin.u32 v9, $0xC39F;
	v29 =	vmin.u32 v20, $0xC39F;
	vm13 =	vlt.u32 v20, v1;
	v20 =	vld [tilespmem:s29+$0xF450]  }
0x9d: {  	vm8 =	vmmov vm8;
	v5 =	vadd.f32 v15, v5;
	v25 =	vsub.s32 v25, v0;
	v26 =	vld.idx.msk [tilespmem:v26+s26+$0x0], $0xffff  }
0x9e: {  	v14 =	vnsel vm4, $0x0, v14;
	v27 =	vsub.s32 v27, v0;
	v15 =	vld.idx.msk [tilespmem:v18+s26+$0x0], $0xffff;
	v18 =	vmin.u32 v25, $0xC39F  }
0x9f: {  	v16 =	vnsel vm6, $0x0, v16;
	v3 =	vadd.f32 v14, v3;
	v30 =	vmin.u32 v27, $0xC39F;
	v28 =	vld.idx.msk [tilespmem:v28+s26+$0x0], $0xffff  }
0xa0: {  	v4 =	vadd.f32 v16, v4;
	vm3 =	vlt.u32 v22, v1;
	vm4 =	vlt.u32 v23, v1;
	v14 =	vld.idx.msk [tilespmem:v19+s26+$0x0], $0xffff  }
0xa1: {  	vm5 =	vlt.u32 v24, v1;
	vm12 =	vlt.u32 v9, v1;
	vm9 =	vlt.u32 v25, v1;
	v16 =	vld.idx.msk [tilespmem:v17+s26+$0x0], $0xffff  }
0xa2: {  	vm10 =	vlt.u32 v27, v1;
	v9 =	vnsel vm1, $0x0, v10;
	vm14 =	vlt.u32 v21, v1;
	v17 =	vld.idx.msk [tilespmem:v29+s26+$0x0], $0xffff  }
0xa3: {  	vm1 =	vmmov vm13;
	vm15 =	vmmov vm10;
	v10 =	vld.idx.msk [tilespmem:v18+s26+$0x0], $0xffff;
	v18 =	vadd.f32 v9, v8  }
0xa4: {  	v8 =	vnsel vm2, $0x0, v11;
	vm2 =	vmmov vm9;
	v11 =	vld.idx.msk [tilespmem:v30+s26+$0x0], $0xffff;
	v9 =	vnsel vm3, $0x0, v15  }
0xa5: {  	v15 =	vld [tilespmem:s29+$0xF440];
	v19 =	vadd.f32 v8, v2;
	v2 =	vnsel vm8, $0x0, v12;
	v8 =	vnsel vm14, $0x0, v26  }
0xa6: {  	v12 =	vld [tilespmem:s29+$0xF470];
	v13 =	vadd.f32 v2, v13;
	v2 =	vadd.f32 v8, v7;
	v7 =	vnsel vm4, $0x0, v28  }
0xa7: {  	v8 =	vadd.f32 v9, v6;
	v6 =	vadd.f32 v7, v5;
	v5 =	vnsel vm5, $0x0, v14;
	v14 =	vld [tilespmem:s29+$0xF460]  }
0xa8: {  	v9 =	vadd.f32 v5, v3;
	v3 =	vnsel vm12, $0x0, v16;
	v5 =	vnsel vm1, $0x0, v17;
	v16 =	vld [tilespmem:s29+$0xF430]  }
0xa9: {  	p2 =	por $0x1, $0x1;
	v7 =	vadd.f32 v3, v4;
	v3 =	vnsel vm2, $0x0, v10;
	v4 =	vnsel vm15, $0x0, v11  }
.Ltmp3:
0xaa: {  	v3 =	vadd.f32 v3, v19;
	v4 =	vadd.f32 v4, v13;
	v13 =	vsub.s32 v15, v0;
	(pc) =	sbr.rel @!p2 .LBB2_4-.Ltmp3, $4  }
0xab: {  	v19 =	vsub.s32 v20, v0;
	v20 =	vsub.s32 v12, v0;
	v10 =	vmin.u32 v13, $0xC39F  }
0xac: {  	v5 =	vadd.f32 v5, v18;
	v15 =	vld [tilespmem:s29+$0xF410];
	v11 =	vmin.u32 v19, $0xC39F;
	vm3 =	vlt.u32 v20, v1  }
0xad: {  	v27 =	vmin.u32 v20, $0xC39F;
	v18 =	vsub.s32 v14, v0;
	v14 =	vld [tilespmem:s29+$0xF400];
	v17 =	vsub.s32 v16, v0  }
0xae: {  	p1 =	por $0x0, $0x0;
	vm1 =	vlt.u32 v19, v1;
	v12 =	vmin.u32 v18, $0xC39F;
	v16 =	vld [tilespmem:s29+$0xF420];
	vm10 =	vlt.u32 v17, v1  }
0xaf: {  	_ =	sdelay $0x3  }
0xb0: {  	v35 =	vld.idx.msk [tilespmem:v11+s1+$0x0], $0xffff  }
0xb1: {  	v28 =	vld.idx.msk [tilespmem:v12+s1+$0x0], $0xffff  }
0xb2: {  	s26 =	simm.s32 $0x80;
	v33 =	vld.idx.msk [tilespmem:v27+s1+$0x0], $0xffff  }
0xb3: {  	vm2 =	vmmov vm10;
	vm5 =	vlt.u32 v18, v1;
	v21 =	vld [tilespmem:s26+$0xF470]  }
0xb4: {  	v34 =	vmin.u32 v17, $0xC39F;
	vm11 =	vmand vm0, vm1;
	v26 =	vld [tilespmem:s26+$0xF450];
	vm7 =	vmand vm0, vm5  }
0xb5: {  	v23 =	vld [tilespmem:s26+$0xF460];
	vm5 =	vmand vm0, vm3;
	vm3 =	vlt.u32 v13, v1;
	v20 =	vsub.s32 v14, v0  }
0xb6: {  	v19 =	vsub.s32 v15, v0;
	v25 =	vmin.u32 v20, $0xC39F;
	vm4 =	vlt.u32 v20, v1;
	v20 =	vld [tilespmem:s26+$0xF440]  }
0xb7: {  	v24 =	vmin.u32 v19, $0xC39F;
	vm8 =	vlt.u32 v19, v1;
	v19 =	vld [tilespmem:s26+$0xF430];
	v22 =	vsub.s32 v16, v0  }
0xb8: {  	v15 =	vld [tilespmem:s26+$0xF410];
	vm8 =	vmand vm0, vm8;
	vm6 =	vlt.u32 v22, v1;
	v22 =	vmin.u32 v22, $0xC39F  }
0xb9: {  	p2 =	por $0x1, $0x1;
	v14 =	vld [tilespmem:s26+$0xF400];
	vm4 =	vmand vm0, vm4;
	v35 =	vnsel vm11, $0x0, v35;
	v26 =	vsub.s32 v26, v0  }
.Ltmp4:
0xba: {  	v16 =	vld [tilespmem:s26+$0xF420];
	vm9 =	vmand vm0, vm6;
	vm6 =	vmand vm0, vm3;
	v18 =	vsub.s32 v23, v0;
	(pc) =	sbr.rel @!p2 .LBB2_6-.Ltmp4, $4  }
0xbb: {  	v34 =	vld.idx.msk [tilespmem:v34+s1+$0x0], $0xffff;
	v23 =	vmovc v4;
	v11 =	vmin.u32 v26, $0xC39F;
	v13 =	vsub.s32 v20, v0;
	v20 =	vsub.s32 v21, v0  }
0xbc: {  	v12 =	vmin.u32 v18, $0xC39F;
	vm1 =	vlt.u32 v26, v1;
	v31 =	vld.idx.msk [tilespmem:v24+s1+$0x0], $0xffff;
	v17 =	vsub.s32 v19, v0;
	v19 =	vmovc v9  }
0xbd: {  	v24 =	vmovc v5;
	v30 =	vld.idx.msk [tilespmem:v25+s1+$0x0], $0xffff;
	vm10 =	vlt.u32 v17, v1;
	v25 =	vmovc v8;
	v21 =	vmov v6;
	v26 =	vmov v2  }
0xbe: {  	p1 =	por $0x1, $0x1;
	s26 =	simm.s32 $0x400;
	v36 =	vmin.u32 v13, $0xC39F;
	v32 =	vld.idx.msk [tilespmem:v22+s1+$0x0], $0xffff;
	vm3 =	vlt.u32 v20, v1;
	v29 =	vmin.u32 v20, $0xC39F;
	v22 =	vmovc v3;
	v20 =	vmovc v7  }
.LBB2_7:
0xbf: {  	v27 =	vsub.s32 v15, v0  }
0xc0: {  	s28 =	sshra.s32 s26, $0x2;
	p2 =	sne.s32 s26, $0xE00;
	s26 =	sadd.s32 $0x200, s26;
	vm11 =	vmand vm0, vm2;
	v37 =	vld.idx.msk [tilespmem:v10+s1+$0x0], $0xffff;
	v22 =	vadd.f32 v35, v22;
	v10 =	vmovc v36;
	vm2 =	vmmov vm10  }
0xc1: {  	v35 =	vsub.s32 v14, v0;
	v28 =	vnsel vm7, $0x0, v28;
	v15 =	vld [tilespmem:s28+$0xF410];
	v36 =	vmin.u32 v27, $0xC39F  }
0xc2: {  	v30 =	vnsel vm4, $0x0, v30;
	v38 =	vmin.u32 v35, $0xC39F;
	v31 =	vnsel vm8, $0x0, v31;
	v14 =	vld [tilespmem:s28+$0xF400]  }
0xc3: {  	v16 =	vsub.s32 v16, v0;
	v25 =	vadd.f32 v30, v25;
	v30 =	vnsel vm9, $0x0, v32;
	v39 =	vld [tilespmem:s28+$0xF470]  }
0xc4: {  	v40 =	vmin.u32 v16, $0xC39F;
	vm9 =	vlt.u32 v16, v1;
	v33 =	vnsel vm5, $0x0, v33;
	v32 =	vld [tilespmem:s28+$0xF460]  }
0xc5: {  	vm4 =	vlt.u32 v35, v1;
	vm8 =	vlt.u32 v27, v1;
	v27 =	vnsel vm11, $0x0, v34;
	v16 =	vld [tilespmem:s28+$0xF420]  }
0xc6: {  	vm4 =	vmand vm0, vm4;
	vm5 =	vlt.u32 v18, v1;
	v19 =	vadd.f32 v30, v19;
	v34 =	vld [tilespmem:s28+$0xF450]  }
0xc7: {  	vm7 =	vmand vm0, vm5;
	v20 =	vadd.f32 v27, v20;
	v27 =	vnsel vm6, $0x0, v37;
	v18 =	vld [tilespmem:s28+$0xF440]  }
0xc8: {  	v23 =	vadd.f32 v28, v23;
	v21 =	vadd.f32 v31, v21;
	vm5 =	vmand vm0, vm3;
	v35 =	vld [tilespmem:s28+$0xF430]  }
0xc9: {  	vm3 =	vlt.u32 v13, v1;
	v26 =	vadd.f32 v33, v26;
	v24 =	vadd.f32 v27, v24;
	v37 =	vld.idx.msk [tilespmem:v11+s1+$0x0], $0xffff  }
0xca: {  	vm8 =	vmand vm0, vm8;
	vm11 =	vmand vm0, vm1;
	v27 =	vmin.u32 v17, $0xC39F;
	v28 =	vld.idx.msk [tilespmem:v12+s1+$0x0], $0xffff  }
.Ltmp5:
0xcb: {  	vm9 =	vmand vm0, vm9;
	vm6 =	vmand vm0, vm3;
	v34 =	vsub.s32 v34, v0;
	v30 =	vld.idx.msk [tilespmem:v38+s1+$0x0], $0xffff;
	(pc) =	sbr.rel @p2 .LBB2_7-.Ltmp5, $4  }
0xcc: {  	v13 =	vsub.s32 v18, v0;
	v11 =	vmin.u32 v34, $0xC39F;
	v18 =	vsub.s32 v32, v0;
	v31 =	vld.idx.msk [tilespmem:v36+s1+$0x0], $0xffff  }
0xcd: {  	v38 =	vsub.s32 v39, v0;
	v36 =	vmin.u32 v13, $0xC39F;
	v12 =	vmin.u32 v18, $0xC39F;
	v32 =	vld.idx.msk [tilespmem:v40+s1+$0x0], $0xffff  }
0xce: {  	vm3 =	vlt.u32 v38, v1;
	v17 =	vsub.s32 v35, v0;
	v33 =	vld.idx.msk [tilespmem:v29+s1+$0x0], $0xffff;
	v29 =	vmin.u32 v38, $0xC39F  }
0xcf: {  	vm1 =	vlt.u32 v34, v1;
	vm10 =	vlt.u32 v17, v1;
	v35 =	vnsel vm11, $0x0, v37;
	v34 =	vld.idx.msk [tilespmem:v27+s1+$0x0], $0xffff  }
0xd0: {  	v37 =	vmov v10;
	v10 =	vmov v36;
	v27 =	vmov v29  }
.LBB2_9:
0xd1: {  	v15 =	vsub.s32 v15, v0;
	vm11 =	vmand @p1 vm0, vm2;
	v22 =	vadd.f32 @p1 v35, v22  }
0xd2: {  	vm2 =	vmmov vm10;
	v14 =	vsub.s32 v14, v0;
	v28 =	vnsel @p1 vm7, $0x0, v28  }
0xd3: {  	v30 =	vnsel @p1 vm4, $0x0, v30;
	v31 =	vnsel @p1 vm8, $0x0, v31;
	v16 =	vsub.s32 v16, v0  }
0xd4: {  	v53 =	vmin.u32 v17, $0xC39F;
	vm12 =	vlt.u32 v18, v1;
	vm3 =	vmand vm0, vm3  }
0xd5: {  	vm1 =	vmand vm0, vm1;
	v29 =	vmin.u32 v15, $0xC39F;
	v52 =	vmin.u32 v14, $0xC39F  }
0xd6: {  	v36 =	vld.idx.msk @p1 [tilespmem:v37+s1+$0x0], $0xffff;
	v25 =	vadd.f32 @p1 v30, v25;
	v30 =	vnsel @p1 vm9, $0x0, v32;
	vm7 =	vlt.u32 v16, v1  }
0xd7: {  	v10 =	vld.idx.msk [tilespmem:v10+s1+$0x0], $0xffff;
	v16 =	vmin.u32 v16, $0xC39F;
	vm15 =	vlt.u32 v14, v1;
	vm14 =	vmand vm0, vm12  }
0xd8: {  	v11 =	vld.idx.msk [tilespmem:v11+s1+$0x0], $0xffff;
	v21 =	vadd.f32 @p1 v31, v21;
	v23 =	vadd.f32 @p1 v28, v23;
	vm2 =	vmand vm0, vm2  }
0xd9: {  	v12 =	vld.idx.msk [tilespmem:v12+s1+$0x0], $0xffff;
	v32 =	vnsel @p1 vm5, $0x0, v33;
	vm5 =	vlt.u32 v15, v1;
	vm13 =	vmand vm0, vm15  }
0xda: {  	v59 =	vld.idx.msk [tilespmem:v27+s1+$0x0], $0xffff;
	v17 =	vadd.f32 @p1 v30, v19;
	vm15 =	vlt.u32 v13, v1;
	vm7 =	vmand vm0, vm7  }
0xdb: {  	v3 =	vpsel p1, v22, v3;
	v15 =	vnsel @p1 vm11, $0x0, v34;
	vm5 =	vmand vm0, vm5;
	v14 =	vld.idx.msk [tilespmem:v53+s1+$0x0], $0xffff  }
0xdc: {  	v4 =	vpsel p1, v23, v4;
	v15 =	vadd.f32 @p1 v15, v20;
	v19 =	vnsel @p1 vm6, $0x0, v36;
	v54 =	vld.idx.msk [tilespmem:v52+s1+$0x0], $0xffff  }
0xdd: {  	vm6 =	vmand vm0, vm15;
	v61 =	vnsel vm1, $0x0, v11;
	v56 =	vld.idx.msk [tilespmem:v16+s1+$0x0], $0xffff;
	v16 =	vadd.f32 @p1 v19, v24  }
0xde: {  	v62 =	vnsel vm14, $0x0, v12;
	v55 =	vld.idx.msk [tilespmem:v29+s1+$0x0], $0xffff;
	v19 =	vadd.f32 @p1 v32, v26;
	v3 =	vadd.f32 v61, v3  }
0xdf: {  	v60 =	vnsel vm6, $0x0, v10;
	v4 =	vadd.f32 v62, v4;
	v5 =	vpsel p1, v16, v5  }
0xe0: {  	v63 =	vnsel vm3, $0x0, v59;
	v2 =	vpsel p1, v19, v2;
	[tilespmem:$0xF850] =	vst v3;
	v5 =	vadd.f32 v60, v5  }
0xe1: {  	v7 =	vpsel p1, v15, v7;
	[tilespmem:$0xF860] =	vst v4;
	v2 =	vadd.f32 v63, v2;
	v14 =	vnsel vm2, $0x0, v14  }
0xe2: {  	v8 =	vpsel p1, v25, v8;
	v57 =	vnsel vm13, $0x0, v54;
	v7 =	vadd.f32 v14, v7;
	[tilespmem:$0xF840] =	vst v5  }
0xe3: {  	v6 =	vpsel p1, v21, v6;
	v58 =	vnsel vm5, $0x0, v55;
	[tilespmem:$0xF870] =	vst v2;
	v8 =	vadd.f32 v57, v8  }
0xe4: {  	v9 =	vpsel p1, v17, v9;
	v13 =	vnsel vm7, $0x0, v56;
	v6 =	vadd.f32 v58, v6;
	[tilespmem:$0xF830] =	vst v7  }
0xe5: {  	v9 =	vadd.f32 v13, v9;
	[tilespmem:$0xF800] =	vst v8  }
0xe6: {  	[tilespmem:$0xF810] =	vst v6  }
0xe7: {  	[tilespmem:$0xF820] =	vst v9  }
0xe8: {  	[spmem:s22] =	stream.linear.scatter [tilespmem:s19], [sflag:$0x4], $0x80, $0x38;
	[tilespmem:$0xFB00] =	vst v63  }
0xe9: {  	_ =	swait.ge [sflag:s23], $0x80  }
0xea: {  	[sflag:s23] =	ssyncset.done $0x0  }
.Ltmp6:
0xeb: {  	[sflag:s23] =	ssyncadd.s32 $0xFFFFFF80;
	(pc) =	sbr.rel @p0 .LBB2_11-.Ltmp6, $4  }
0xec: {  	[bflag:$0x0] =	sbarrier.arrive $0xFFFF  }
0xed: {  	_ =	swait.ge [sflag:s16], $0x1  }
0xee: {  	[sflag:s16] =	ssyncset.done $0x0  }
0xef: {  	[sflag:s16] =	ssyncadd.s32 $0xFFFFFFFF  }
0xf0: {  	s26 =	rddreg [dreg:$0x7];
	s28 =	simm.s32 $0xF880  }
0xf1: {  	v2 =	vld.msk [tilespmem:$0xFA00 ss:$0x0], $0xffff;
	[tilespmem:s28], [sflag:$0x4] =	stream.linear.gather [spmem:s26], $0x180, $0x38  }
0xf2: {  	_ =	swait.ge [sflag:s23], $0x180  }
0xf3: {  	[sflag:s23] =	ssyncset.done $0x0  }
0xf4: {  	[sflag:s23] =	ssyncadd.s32 $0xFFFFFE80  }
0xf5: {  	v3 =	vld [tilespmem:$0xF800]  }
0xf6: {  	v4 =	vld [tilespmem:$0xF880]  }
0xf7: {  	v5 =	vld [tilespmem:$0xF900]  }
0xf8: {  	v6 =	vld [tilespmem:$0xF980]  }
0xf9: {  	v7 =	vld [tilespmem:$0xF810]  }
0xfa: {  	v8 =	vld [tilespmem:$0xF890]  }
0xfb: {  	v9 =	vld [tilespmem:$0xF910]  }
0xfc: {  	v10 =	vld [tilespmem:$0xF990]  }
0xfd: {  	v11 =	vld [tilespmem:$0xF820]  }
0xfe: {  	v12 =	vld [tilespmem:$0xF8A0]  }
0xff: {  	v13 =	vld [tilespmem:$0xF920]  }
0x100: {  	v15 =	vld [tilespmem:$0xF830]  }
0x101: {  	v16 =	vld [tilespmem:$0xF8B0]  }
0x102: {  	v17 =	vld [tilespmem:$0xF930]  }
0x103: {  	v18 =	vld [tilespmem:$0xF9B0]  }
0x104: {  	v19 =	vld [tilespmem:$0xF840]  }
0x105: {  	v20 =	vld [tilespmem:$0xF8C0]  }
0x106: {  	v45 =	vld [tilespmem:$0xF850]  }
0x107: {  	v46 =	vld [tilespmem:$0xF8D0]  }
0x108: {  	v54 =	vld [tilespmem:$0xF870]  }
0x109: {  	v55 =	vld [tilespmem:$0xF8F0]  }
0x10a: {  	v21 =	vld [tilespmem:$0xF940]  }
0x10b: {  	v47 =	vld [tilespmem:$0xF950];
	v3 =	vadd.f32 v4, v3;
	v44 =	vadd.f32 v8, v7  }
0x10c: {  	v57 =	vld [tilespmem:$0xF970];
	v50 =	vadd.f32 v12, v11;
	v51 =	vadd.f32 v16, v15  }
0x10d: {  	v22 =	vld [tilespmem:$0xF9C0];
	v53 =	vadd.f32 v20, v19;
	v7 =	vadd.f32 v46, v45  }
0x10e: {  	v49 =	vld [tilespmem:$0xF860];
	v8 =	vadd.f32 v55, v54;
	v3 =	vadd.f32 v5, v3  }
0x10f: {  	v52 =	vld [tilespmem:$0xF8E0];
	v4 =	vadd.f32 v9, v44;
	v11 =	vadd.f32 v17, v51  }
0x110: {  	v48 =	vld [tilespmem:$0xF9D0];
	v15 =	vadd.f32 v21, v53;
	v5 =	vadd.f32 v47, v7  }
0x111: {  	v56 =	vld [tilespmem:$0xF960];
	v61 =	vadd.f32 v57, v8;
	v3 =	vadd.f32 v6, v3  }
0x112: {  	v14 =	vld [tilespmem:$0xF9A0];
	v4 =	vadd.f32 v10, v4;
	v10 =	vadd.f32 v13, v50  }
0x113: {  	v58 =	vld [tilespmem:$0xF9E0];
	v11 =	vadd.f32 v18, v11;
	v15 =	vadd.f32 v22, v15  }
0x114: {  	v59 =	vld [tilespmem:$0xF9F0];
	v6 =	vadd.f32 v52, v49;
	v3 =	vadd.f32 v3, v2  }
0x115: {  	v5 =	vadd.f32 v48, v5;
	v4 =	vadd.f32 v4, v2  }
0x116: {  	v62 =	vadd.f32 v11, v2;
	[tilespmem:$0xF800] =	vst v3;
	v3 =	vadd.f32 v56, v6  }
0x117: {  	v10 =	vadd.f32 v14, v10;
	v63 =	vadd.f32 v15, v2;
	[tilespmem:$0xF810] =	vst v4  }
0x118: {  	v5 =	vadd.f32 v5, v2;
	[tilespmem:$0xF830] =	vst v62;
	v3 =	vadd.f32 v58, v3  }
0x119: {  	v60 =	vadd.f32 v10, v2;
	v4 =	vadd.f32 v59, v61;
	[tilespmem:$0xF840] =	vst v63  }
0x11a: {  	[tilespmem:$0xF850] =	vst v5;
	v3 =	vadd.f32 v3, v2  }
0x11b: {  	[tilespmem:$0xF820] =	vst v60;
	v2 =	vadd.f32 v4, v2  }
0x11c: {  	[tilespmem:$0xF860] =	vst v3  }
.Ltmp7:
0x11d: {  	s29 =	rddreg [dreg:$0x6];
	[tilespmem:$0xF870] =	vst v2;
	(pc) =	sbr.rel .LBB2_11-.Ltmp7, $4  }
0x11e: {  	[hbm4b:s29+s1] =	stream.linear.scatter [tilespmem:s19], [sflag:$0x4], $0x80, $0x38;
	[tilespmem:$0xFB00] =	vst v63  }
0x11f: {  	_ =	swait.ge [sflag:s23], $0x80  }
0x120: {  	[sflag:s23] =	ssyncset.done $0x0  }
0x121: {  	[sflag:s23] =	ssyncadd.s32 $0xFFFFFF80  }
.LBB2_4:
.Ltmp8:
0x122: {  	(pc) =	sbr.rel .LBB2_9-.Ltmp8, $3  }
0x123: {  	_ =	sdelay $0x1  }
0x124: {  	v22 =	vmov v3;
	v25 =	vmov v8;
	v19 =	vmov v9  }
0x125: {  	v20 =	vmovc v7;
	v21 =	vmovc v6;
	v23 =	vmov v4;
	v24 =	vmov v5;
	v26 =	vmov v2  }
.LBB2_6:
.Ltmp9:
0x126: {  	(pc) =	sbr.rel .LBB2_9-.Ltmp9, $4  }
0x127: {  	_ = 	snop  }
0x128: {  	v37 =	vmov v10  }
0x129: {  	v22 =	vmovc v3;
	v10 =	vmovc v36;
	v25 =	vmov v8;
	v19 =	vmov v9;
	v20 =	vmov v7  }
0x12a: {  	v21 =	vmovc v6;
	v23 =	vmovc v4;
	v24 =	vmov v5;
	v26 =	vmov v2;
	v27 =	vmov v29  }
.LBB2_12:
0x12b: {  	_ =	sfence.sel $0x180000  }
0x12c: {  	[bflag:$0x0] =	sbarrier.arrive $0xFFFF  }
0x12d: {  	_ =	strace $0x90000047  }
0x12e: {  	s0 =	stileid.u32;
	[bflag:$0x2] =	sbarrier.arrive $0xFFFF  }
0x12f: {  	p0 =	sne.s32 s0, $0x0;
	s0 =	rddreg [dreg:$0x5]  }
0x130: {  	s0 =	sadd.s32 @!p0 $0x100000, s0  }
0x131: {  	[sflag:s0] =	ssyncadd.tile.s32 @!p0 $0x1;
	_ =	shalt  }
.Lfunc_end2:
_tile_overlayer_lowered:
.L_overlay_start_2:
0x132: {  	(tag) =	ssettag $0x2  }
0x133: {  	s0 =	rddreg [dreg:$0x0];
	s2 =	stileid.u32  }
0x134: {  	s1 =	rddreg [dreg:$0x1];
	p0 =	sne.s32 s2, $0x0  }
0x135: {  	s3 =	rddreg [dreg:$0x2];
	[bflag:$0x3] =	sbarrier.arrive $0xFFFF;
	s2 =	simm.s32 @!p0 $0x1C04  }
0x136: {  	[timem:s3], [sflag:s2] =	dma.local @!p0 [hbm:s0], s1  }
0x137: {  	s0 =	simm.s32 @!p0 $0x4  }
0x138: {  	_ =	swait.ge @!p0 [sflag:s0], s1  }
0x139: {  	s1 =	ssub.s32 @!p0 $0x0, s1;
	[sflag:s0] =	ssyncset.done @!p0 $0x0  }
0x13a: {  	[sflag:s0] =	ssyncadd.s32 @!p0 s1  }
0x13b: {  	[bflag:$0x3] =	sbarrier.arrive $0xFFFF  }
0x13c: {  	_ =	shalt  }

</sc_bundles>
